<compile_context>
chip_gen: v7x
topology: tpu7x:2x2x1
jax: 0.10.2.dev20260603
libtpu: 0.0.44.dev20260713+nightly
codegen_flags: <defaults>
</compile_context>

<pallas_src>
import jax
import jax.numpy as jnp
from jax import lax
from jax.experimental import pallas as pl
from jax.experimental.pallas import tpu as pltpu
from jax.experimental.pallas import tpu_sc as plsc

N_CORES = 2
N_SUB = 16
CHUNK = 128
NBUF = 2


def _sc_scatter_gather(n_pad, d_feat, chunks_per_tile, rows_per_tile):
  mesh = plsc.VectorSubcoreMesh(core_axis_name="c", subcore_axis_name="s")

  n = chunks_per_tile
  M = 2 * NBUF

  def body(x_hbm, idx_hbm, zeros_hbm, out_hbm, idx_v, bufs_v, acc_sh, *sems):
    isems = sems[:M]
    gsems = sems[M:M + NBUF]
    ssems = sems[M + NBUF:]
    cid = lax.axis_index("c")
    sid = lax.axis_index("s")

    row0 = sid * rows_per_tile
    pltpu.sync_copy(zeros_hbm, acc_sh.at[pl.ds(row0, rows_per_tile)])

    def idx_start(c, m):
      pltpu.async_copy(idx_hbm.at[cid, sid, c], idx_v.at[m], isems[m])

    def idx_wait(c, m):
      pltpu.make_async_copy(
          idx_hbm.at[cid, sid, c], idx_v.at[m], isems[m]).wait()

    def gather_start(c, m, b):
      pltpu.async_copy(x_hbm.at[idx_v.at[m, 0]], bufs_v.at[b], gsems[b])

    def gather_wait(c, m, b):
      pltpu.make_async_copy(
          x_hbm.at[idx_v.at[m, 0]], bufs_v.at[b], gsems[b]).wait()

    def scatter_start(c, m, b):
      pltpu.async_copy(bufs_v.at[b], acc_sh.at[idx_v.at[m, 1]], ssems[b],
                       add=True)

    def scatter_wait(c, m, b):
      pltpu.make_async_copy(
          bufs_v.at[b], acc_sh.at[idx_v.at[m, 1]], ssems[b]).wait()

    for m in range(M):
      idx_start(m, m)
    plsc.subcore_barrier()
    idx_wait(0, 0)
    gather_start(0, 0, 0)

    @pl.loop(0, n // M)
    def _outer(i):
      c0 = i * M
      for j in range(M):
        c = c0 + j
        b = j % NBUF
        b1 = (j + 1) % NBUF
        m = j
        m1 = (j + 1) % M
        mr = (j + M - 1) % M
        @pl.when((c >= 1) & (c + 1 < n))
        def _():
          scatter_wait(c - 1, mr, b1)
        @pl.when((c >= 1) & (c + M - 1 < n))
        def _():
          idx_start(c + M - 1, mr)
        @pl.when(c + 1 < n)
        def _():
          idx_wait(c + 1, m1)
          gather_start(c + 1, m1, b1)
        gather_wait(c, m, b)
        scatter_start(c, m, b)

    scatter_wait(n - 2, (n - 2) % M, (n - 2) % NBUF)
    scatter_wait(n - 1, (n - 1) % M, (n - 1) % NBUF)
    plsc.subcore_barrier()
    pltpu.sync_copy(acc_sh.at[pl.ds(row0, rows_per_tile)],
                    out_hbm.at[cid, pl.ds(row0, rows_per_tile)])

  return pl.kernel(
      body,
      out_type=jax.ShapeDtypeStruct((N_CORES, n_pad, d_feat), jnp.float32),
      mesh=mesh,
      scratch_types=[
          pltpu.VMEM((M, 2, CHUNK), jnp.int32),
          pltpu.VMEM((NBUF, CHUNK, d_feat), jnp.float32),
          pltpu.VMEM_SHARED((n_pad, d_feat), jnp.float32),
      ] + [pltpu.SemaphoreType.DMA] * (M + 2 * NBUF),
  )


def _combine(parts, n_nodes, block_rows):
  d_feat = parts.shape[2]
  grid = n_nodes // block_rows

  def body(p_ref, o_ref):
    o_ref[...] = p_ref[0] + p_ref[1]

  return pl.pallas_call(
      body,
      grid=(grid,),
      in_specs=[pl.BlockSpec((2, block_rows, d_feat), lambda i: (0, i, 0))],
      out_specs=pl.BlockSpec((block_rows, d_feat), lambda i: (i, 0)),
      out_shape=jax.ShapeDtypeStruct((n_nodes, d_feat), jnp.float32),
  )(parts)


def kernel(x, edge_index):
  n_nodes, d_feat = x.shape
  n_edges = edge_index.shape[1]

  src = edge_index[0].astype(jnp.int32)
  dst = edge_index[1].astype(jnp.int32)

  ring = 2 * NBUF
  per_round = N_CORES * N_SUB * CHUNK
  chunks_per_tile = -(-(-(-n_edges // per_round)) // ring) * ring
  e_pad = N_CORES * N_SUB * chunks_per_tile * CHUNK

  n_pad = -(-(n_nodes + 1) // (N_SUB * 8)) * (N_SUB * 8)
  rows_per_tile = n_pad // N_SUB
  n_scratch = n_pad - n_nodes

  n_tiles = N_CORES * N_SUB
  per_tile = chunks_per_tile * CHUNK
  e_round = -(-n_edges // n_tiles) * n_tiles
  tail = e_round - n_edges
  base = e_round // n_tiles
  k = per_tile - base

  src = jnp.concatenate([src, jnp.zeros((tail,), jnp.int32)])
  dst = jnp.concatenate(
      [dst, n_nodes + jnp.arange(tail, dtype=jnp.int32) % n_scratch])
  pad_src = jnp.zeros((n_tiles, k), jnp.int32)
  pad_dst = (n_nodes + jnp.arange(n_tiles * k, dtype=jnp.int32) % n_scratch
             ).reshape(n_tiles, k)
  src_full = jnp.concatenate([src.reshape(n_tiles, base), pad_src], axis=1)
  dst_full = jnp.concatenate([dst.reshape(n_tiles, base), pad_dst], axis=1)
  idx = jnp.stack([
      src_full.reshape(N_CORES, N_SUB, chunks_per_tile, CHUNK),
      dst_full.reshape(N_CORES, N_SUB, chunks_per_tile, CHUNK),
  ], axis=3)

  zeros = jnp.zeros((rows_per_tile, d_feat), jnp.float32)

  parts = _sc_scatter_gather(n_pad, d_feat, chunks_per_tile, rows_per_tile)(
      x, idx, zeros)

  block_rows = 1000 if n_nodes % 1000 == 0 else 8
  return _combine(parts, n_nodes, block_rows)

# --- scband reference (transcript-rebuilt; emitter-appended) ---
"""Pipeline reference for scband-message-passing-54820962566736 (READ-ONLY COPY).

The authoritative reference and input builder live on the scoring server;
editing this copy changes nothing except your own understanding.
"""

import jax, jax.numpy as jnp
import numpy as np

N_NODES = 10000
N_EDGES = 320000
D_FEAT = 128

def setup_inputs(seed: int = 0) -> dict:
    key = jax.random.key(seed)
    k1, k2 = jax.random.split(key)
    x = jax.random.normal(k1, (N_NODES, D_FEAT), dtype=jnp.float32)
    edge_index = jax.random.randint(k2, (2, N_EDGES), 0, N_NODES, dtype=jnp.int64)
    return {"x": x, "edge_index": edge_index}

def reference(x, edge_index):
    # MessagePassing base class with identity message/update, aggr='add',
    # flow='source_to_target' -> i=1 (dst), j=0 (src).
    # message: x_j = x gathered at source nodes edge_index[0]
    msgs = jnp.take(x, edge_index[0], axis=0)
    # aggregate: scatter-add messages to destination nodes edge_index[1]
    out = jax.ops.segment_sum(msgs, edge_index[1], num_segments=x.shape[0])
    # update: identity
    return out

if __name__ == "__main__":
    import jax
    _d = setup_inputs()
    print(jax.jit(kernel)(*tuple(_d.values())))

</pallas_src>

<mosaic_0001>
#map = affine_map<(d0, d1) -> (0, 0)>
#map1 = affine_map<(d0, d1) -> (0, 0, 0, 0, 0)>
#map2 = affine_map<(d0, d1) -> (0, 0, 0)>
module attributes {stable_mosaic.version = 14 : i64} {
  func.func @body(%arg0: i32, %arg1: i32, %arg2: memref<10000x128xf32, #tpu.memory_space<hbm>>, %arg3: memref<2x16x80x2x128xi32, #tpu.memory_space<hbm>>, %arg4: memref<632x128xf32, #tpu.memory_space<hbm>>, %arg5: memref<2x10112x128xf32, #tpu.memory_space<hbm>>, %arg6: memref<4x2x128xi32, #tpu.memory_space<vmem>>, %arg7: memref<2x128x128xf32, #tpu.memory_space<vmem>>, %arg8: memref<10112x128xf32, #tpu.memory_space<vmem_shared>>, %arg9: memref<!tpu.dma_semaphore, #tpu.memory_space<semaphore_mem>>, %arg10: memref<!tpu.dma_semaphore, #tpu.memory_space<semaphore_mem>>, %arg11: memref<!tpu.dma_semaphore, #tpu.memory_space<semaphore_mem>>, %arg12: memref<!tpu.dma_semaphore, #tpu.memory_space<semaphore_mem>>, %arg13: memref<!tpu.dma_semaphore, #tpu.memory_space<semaphore_mem>>, %arg14: memref<!tpu.dma_semaphore, #tpu.memory_space<semaphore_mem>>, %arg15: memref<!tpu.dma_semaphore, #tpu.memory_space<semaphore_mem>>, %arg16: memref<!tpu.dma_semaphore, #tpu.memory_space<semaphore_mem>>) attributes {dimension_semantics = [#tpu.dimension_semantics<core_parallel>, #tpu.dimension_semantics<subcore_parallel>], iteration_bounds = array<i64: 2, 16>, scalar_prefetch = 0 : i64, scratch_operands = 11 : i64, tpu.core_type = #tpu.core_type<sc_vector_subcore>, window_params = [{transform_indices = #map}, {transform_indices = #map1}, {transform_indices = #map}, {transform_indices = #map2}]} {
    %mul3A = arith.constant 632 : i32
    %mul3A_0 = arith.muli %arg1, %mul3A : i32
    "tpu.region"() ({
      %run_scoped3A = tpu.sem_alloc : memref<!tpu.dma_semaphore, #tpu.memory_space<semaphore_mem>>
      %dma_start3A_133 = arith.constant 0 : i32
      %dma_start3A_134 = tpu.memref_slice %arg8[%mul3A_0, %dma_start3A_133] : memref<10112x128xf32, #tpu.memory_space<vmem_shared>> -> memref<632x128xf32, #tpu.memory_space<vmem_shared>>
      tpu.enqueue_dma source(%arg4 : memref<632x128xf32, #tpu.memory_space<hbm>>) target(%dma_start3A_134 : memref<632x128xf32, #tpu.memory_space<vmem_shared>>) target_semaphore(%run_scoped3A : memref<!tpu.dma_semaphore, #tpu.memory_space<semaphore_mem>>)
      %dma_wait3A_135 = arith.constant 0 : i32
      %dma_wait3A_136 = tpu.memref_slice %arg8[%mul3A_0, %dma_wait3A_135] : memref<10112x128xf32, #tpu.memory_space<vmem_shared>> -> memref<632x128xf32, #tpu.memory_space<vmem_shared>>
      tpu.wait_dma2 semaphore(%run_scoped3A : memref<!tpu.dma_semaphore, #tpu.memory_space<semaphore_mem>>) src(%arg4 : memref<632x128xf32, #tpu.memory_space<hbm>>) dst(%dma_wait3A_136 : memref<632x128xf32, #tpu.memory_space<vmem_shared>>)
      tpu.yield
    }) : () -> ()
    %dma_start3A = arith.constant 0 : i32
    %dma_start3A_1 = arith.constant 0 : i32
    %dma_start3A_2 = arith.constant 0 : i32
    %dma_start3A_3 = arith.constant 0 : i32
    %dma_start3A_4 = tpu.memref_slice %arg6[%dma_start3A_1, %dma_start3A_2, %dma_start3A_3] : memref<4x2x128xi32, #tpu.memory_space<vmem>> -> memref<1x2x128xi32, #tpu.memory_space<vmem>>
    %dma_start3A_5 = tpu.memref_squeeze %dma_start3A_4 : memref<1x2x128xi32, #tpu.memory_space<vmem>> -> memref<2x128xi32, #tpu.memory_space<vmem>>
    %dma_start3A_6 = arith.constant 0 : i32
    %dma_start3A_7 = arith.constant 0 : i32
    %dma_start3A_8 = tpu.memref_slice %arg3[%arg0, %arg1, %dma_start3A, %dma_start3A_6, %dma_start3A_7] : memref<2x16x80x2x128xi32, #tpu.memory_space<hbm>> -> memref<1x1x1x2x128xi32, #tpu.memory_space<hbm>>
    %dma_start3A_9 = tpu.memref_squeeze %dma_start3A_8 : memref<1x1x1x2x128xi32, #tpu.memory_space<hbm>> -> memref<2x128xi32, #tpu.memory_space<hbm>>
    %dma_start3A_10 = arith.constant 0 : i32
    %dma_start3A_11 = arith.constant 0 : i32
    %dma_start3A_12 = tpu.memref_slice %arg6[%dma_start3A_1, %dma_start3A_10, %dma_start3A_11] : memref<4x2x128xi32, #tpu.memory_space<vmem>> -> memref<1x2x128xi32, #tpu.memory_space<vmem>>
    %dma_start3A_13 = tpu.memref_squeeze %dma_start3A_12 : memref<1x2x128xi32, #tpu.memory_space<vmem>> -> memref<2x128xi32, #tpu.memory_space<vmem>>
    %dma_start3A_14 = arith.constant 0 : i32
    %dma_start3A_15 = arith.constant 0 : i32
    %dma_start3A_16 = tpu.memref_slice %arg3[%arg0, %arg1, %dma_start3A, %dma_start3A_14, %dma_start3A_15] : memref<2x16x80x2x128xi32, #tpu.memory_space<hbm>> -> memref<1x1x1x2x128xi32, #tpu.memory_space<hbm>>
    %dma_start3A_17 = tpu.memref_squeeze %dma_start3A_16 : memref<1x1x1x2x128xi32, #tpu.memory_space<hbm>> -> memref<2x128xi32, #tpu.memory_space<hbm>>
    tpu.enqueue_dma source(%dma_start3A_17 : memref<2x128xi32, #tpu.memory_space<hbm>>) target(%dma_start3A_13 : memref<2x128xi32, #tpu.memory_space<vmem>>) target_semaphore(%arg9 : memref<!tpu.dma_semaphore, #tpu.memory_space<semaphore_mem>>)
    %dma_start3A_18 = arith.constant 1 : i32
    %dma_start3A_19 = arith.constant 1 : i32
    %dma_start3A_20 = arith.constant 0 : i32
    %dma_start3A_21 = arith.constant 0 : i32
    %dma_start3A_22 = tpu.memref_slice %arg6[%dma_start3A_19, %dma_start3A_20, %dma_start3A_21] : memref<4x2x128xi32, #tpu.memory_space<vmem>> -> memref<1x2x128xi32, #tpu.memory_space<vmem>>
    %dma_start3A_23 = tpu.memref_squeeze %dma_start3A_22 : memref<1x2x128xi32, #tpu.memory_space<vmem>> -> memref<2x128xi32, #tpu.memory_space<vmem>>
    %dma_start3A_24 = arith.constant 0 : i32
    %dma_start3A_25 = arith.constant 0 : i32
    %dma_start3A_26 = tpu.memref_slice %arg3[%arg0, %arg1, %dma_start3A_18, %dma_start3A_24, %dma_start3A_25] : memref<2x16x80x2x128xi32, #tpu.memory_space<hbm>> -> memref<1x1x1x2x128xi32, #tpu.memory_space<hbm>>
    %dma_start3A_27 = tpu.memref_squeeze %dma_start3A_26 : memref<1x1x1x2x128xi32, #tpu.memory_space<hbm>> -> memref<2x128xi32, #tpu.memory_space<hbm>>
    %dma_start3A_28 = arith.constant 0 : i32
    %dma_start3A_29 = arith.constant 0 : i32
    %dma_start3A_30 = tpu.memref_slice %arg6[%dma_start3A_19, %dma_start3A_28, %dma_start3A_29] : memref<4x2x128xi32, #tpu.memory_space<vmem>> -> memref<1x2x128xi32, #tpu.memory_space<vmem>>
    %dma_start3A_31 = tpu.memref_squeeze %dma_start3A_30 : memref<1x2x128xi32, #tpu.memory_space<vmem>> -> memref<2x128xi32, #tpu.memory_space<vmem>>
    %dma_start3A_32 = arith.constant 0 : i32
    %dma_start3A_33 = arith.constant 0 : i32
    %dma_start3A_34 = tpu.memref_slice %arg3[%arg0, %arg1, %dma_start3A_18, %dma_start3A_32, %dma_start3A_33] : memref<2x16x80x2x128xi32, #tpu.memory_space<hbm>> -> memref<1x1x1x2x128xi32, #tpu.memory_space<hbm>>
    %dma_start3A_35 = tpu.memref_squeeze %dma_start3A_34 : memref<1x1x1x2x128xi32, #tpu.memory_space<hbm>> -> memref<2x128xi32, #tpu.memory_space<hbm>>
    tpu.enqueue_dma source(%dma_start3A_35 : memref<2x128xi32, #tpu.memory_space<hbm>>) target(%dma_start3A_31 : memref<2x128xi32, #tpu.memory_space<vmem>>) target_semaphore(%arg10 : memref<!tpu.dma_semaphore, #tpu.memory_space<semaphore_mem>>)
    %dma_start3A_36 = arith.constant 2 : i32
    %dma_start3A_37 = arith.constant 2 : i32
    %dma_start3A_38 = arith.constant 0 : i32
    %dma_start3A_39 = arith.constant 0 : i32
    %dma_start3A_40 = tpu.memref_slice %arg6[%dma_start3A_37, %dma_start3A_38, %dma_start3A_39] : memref<4x2x128xi32, #tpu.memory_space<vmem>> -> memref<1x2x128xi32, #tpu.memory_space<vmem>>
    %dma_start3A_41 = tpu.memref_squeeze %dma_start3A_40 : memref<1x2x128xi32, #tpu.memory_space<vmem>> -> memref<2x128xi32, #tpu.memory_space<vmem>>
    %dma_start3A_42 = arith.constant 0 : i32
    %dma_start3A_43 = arith.constant 0 : i32
    %dma_start3A_44 = tpu.memref_slice %arg3[%arg0, %arg1, %dma_start3A_36, %dma_start3A_42, %dma_start3A_43] : memref<2x16x80x2x128xi32, #tpu.memory_space<hbm>> -> memref<1x1x1x2x128xi32, #tpu.memory_space<hbm>>
    %dma_start3A_45 = tpu.memref_squeeze %dma_start3A_44 : memref<1x1x1x2x128xi32, #tpu.memory_space<hbm>> -> memref<2x128xi32, #tpu.memory_space<hbm>>
    %dma_start3A_46 = arith.constant 0 : i32
    %dma_start3A_47 = arith.constant 0 : i32
    %dma_start3A_48 = tpu.memref_slice %arg6[%dma_start3A_37, %dma_start3A_46, %dma_start3A_47] : memref<4x2x128xi32, #tpu.memory_space<vmem>> -> memref<1x2x128xi32, #tpu.memory_space<vmem>>
    %dma_start3A_49 = tpu.memref_squeeze %dma_start3A_48 : memref<1x2x128xi32, #tpu.memory_space<vmem>> -> memref<2x128xi32, #tpu.memory_space<vmem>>
    %dma_start3A_50 = arith.constant 0 : i32
    %dma_start3A_51 = arith.constant 0 : i32
    %dma_start3A_52 = tpu.memref_slice %arg3[%arg0, %arg1, %dma_start3A_36, %dma_start3A_50, %dma_start3A_51] : memref<2x16x80x2x128xi32, #tpu.memory_space<hbm>> -> memref<1x1x1x2x128xi32, #tpu.memory_space<hbm>>
    %dma_start3A_53 = tpu.memref_squeeze %dma_start3A_52 : memref<1x1x1x2x128xi32, #tpu.memory_space<hbm>> -> memref<2x128xi32, #tpu.memory_space<hbm>>
    tpu.enqueue_dma source(%dma_start3A_53 : memref<2x128xi32, #tpu.memory_space<hbm>>) target(%dma_start3A_49 : memref<2x128xi32, #tpu.memory_space<vmem>>) target_semaphore(%arg11 : memref<!tpu.dma_semaphore, #tpu.memory_space<semaphore_mem>>)
    %dma_start3A_54 = arith.constant 3 : i32
    %dma_start3A_55 = arith.constant 3 : i32
    %dma_start3A_56 = arith.constant 0 : i32
    %dma_start3A_57 = arith.constant 0 : i32
    %dma_start3A_58 = tpu.memref_slice %arg6[%dma_start3A_55, %dma_start3A_56, %dma_start3A_57] : memref<4x2x128xi32, #tpu.memory_space<vmem>> -> memref<1x2x128xi32, #tpu.memory_space<vmem>>
    %dma_start3A_59 = tpu.memref_squeeze %dma_start3A_58 : memref<1x2x128xi32, #tpu.memory_space<vmem>> -> memref<2x128xi32, #tpu.memory_space<vmem>>
    %dma_start3A_60 = arith.constant 0 : i32
    %dma_start3A_61 = arith.constant 0 : i32
    %dma_start3A_62 = tpu.memref_slice %arg3[%arg0, %arg1, %dma_start3A_54, %dma_start3A_60, %dma_start3A_61] : memref<2x16x80x2x128xi32, #tpu.memory_space<hbm>> -> memref<1x1x1x2x128xi32, #tpu.memory_space<hbm>>
    %dma_start3A_63 = tpu.memref_squeeze %dma_start3A_62 : memref<1x1x1x2x128xi32, #tpu.memory_space<hbm>> -> memref<2x128xi32, #tpu.memory_space<hbm>>
    %dma_start3A_64 = arith.constant 0 : i32
    %dma_start3A_65 = arith.constant 0 : i32
    %dma_start3A_66 = tpu.memref_slice %arg6[%dma_start3A_55, %dma_start3A_64, %dma_start3A_65] : memref<4x2x128xi32, #tpu.memory_space<vmem>> -> memref<1x2x128xi32, #tpu.memory_space<vmem>>
    %dma_start3A_67 = tpu.memref_squeeze %dma_start3A_66 : memref<1x2x128xi32, #tpu.memory_space<vmem>> -> memref<2x128xi32, #tpu.memory_space<vmem>>
    %dma_start3A_68 = arith.constant 0 : i32
    %dma_start3A_69 = arith.constant 0 : i32
    %dma_start3A_70 = tpu.memref_slice %arg3[%arg0, %arg1, %dma_start3A_54, %dma_start3A_68, %dma_start3A_69] : memref<2x16x80x2x128xi32, #tpu.memory_space<hbm>> -> memref<1x1x1x2x128xi32, #tpu.memory_space<hbm>>
    %dma_start3A_71 = tpu.memref_squeeze %dma_start3A_70 : memref<1x1x1x2x128xi32, #tpu.memory_space<hbm>> -> memref<2x128xi32, #tpu.memory_space<hbm>>
    tpu.enqueue_dma source(%dma_start3A_71 : memref<2x128xi32, #tpu.memory_space<hbm>>) target(%dma_start3A_67 : memref<2x128xi32, #tpu.memory_space<vmem>>) target_semaphore(%arg12 : memref<!tpu.dma_semaphore, #tpu.memory_space<semaphore_mem>>)
    %barrier3A = arith.constant 0 : index
    tpu.barrier barrier_id(%barrier3A)
    %dma_wait3A = arith.constant 0 : i32
    %dma_wait3A_72 = arith.constant 0 : i32
    %dma_wait3A_73 = arith.constant 0 : i32
    %dma_wait3A_74 = arith.constant 0 : i32
    %dma_wait3A_75 = tpu.memref_slice %arg6[%dma_wait3A_72, %dma_wait3A_73, %dma_wait3A_74] : memref<4x2x128xi32, #tpu.memory_space<vmem>> -> memref<1x2x128xi32, #tpu.memory_space<vmem>>
    %dma_wait3A_76 = tpu.memref_squeeze %dma_wait3A_75 : memref<1x2x128xi32, #tpu.memory_space<vmem>> -> memref<2x128xi32, #tpu.memory_space<vmem>>
    %dma_wait3A_77 = arith.constant 0 : i32
    %dma_wait3A_78 = arith.constant 0 : i32
    %dma_wait3A_79 = tpu.memref_slice %arg3[%arg0, %arg1, %dma_wait3A, %dma_wait3A_77, %dma_wait3A_78] : memref<2x16x80x2x128xi32, #tpu.memory_space<hbm>> -> memref<1x1x1x2x128xi32, #tpu.memory_space<hbm>>
    %dma_wait3A_80 = tpu.memref_squeeze %dma_wait3A_79 : memref<1x1x1x2x128xi32, #tpu.memory_space<hbm>> -> memref<2x128xi32, #tpu.memory_space<hbm>>
    %dma_wait3A_81 = arith.constant 0 : i32
    %dma_wait3A_82 = arith.constant 0 : i32
    %dma_wait3A_83 = tpu.memref_slice %arg6[%dma_wait3A_72, %dma_wait3A_81, %dma_wait3A_82] : memref<4x2x128xi32, #tpu.memory_space<vmem>> -> memref<1x2x128xi32, #tpu.memory_space<vmem>>
    %dma_wait3A_84 = tpu.memref_squeeze %dma_wait3A_83 : memref<1x2x128xi32, #tpu.memory_space<vmem>> -> memref<2x128xi32, #tpu.memory_space<vmem>>
    %dma_wait3A_85 = arith.constant 0 : i32
    %dma_wait3A_86 = arith.constant 0 : i32
    %dma_wait3A_87 = tpu.memref_slice %arg3[%arg0, %arg1, %dma_wait3A, %dma_wait3A_85, %dma_wait3A_86] : memref<2x16x80x2x128xi32, #tpu.memory_space<hbm>> -> memref<1x1x1x2x128xi32, #tpu.memory_space<hbm>>
    %dma_wait3A_88 = tpu.memref_squeeze %dma_wait3A_87 : memref<1x1x1x2x128xi32, #tpu.memory_space<hbm>> -> memref<2x128xi32, #tpu.memory_space<hbm>>
    tpu.wait_dma2 semaphore(%arg9 : memref<!tpu.dma_semaphore, #tpu.memory_space<semaphore_mem>>) src(%dma_wait3A_88 : memref<2x128xi32, #tpu.memory_space<hbm>>) dst(%dma_wait3A_84 : memref<2x128xi32, #tpu.memory_space<vmem>>)
    %dma_start3A_89 = arith.constant 0 : i32
    %dma_start3A_90 = arith.constant 0 : i32
    %dma_start3A_91 = arith.constant 0 : i32
    %dma_start3A_92 = arith.constant 0 : i32
    %dma_start3A_93 = arith.constant 0 : i32
    %dma_start3A_94 = tpu.memref_slice %arg7[%dma_start3A_91, %dma_start3A_92, %dma_start3A_93] : memref<2x128x128xf32, #tpu.memory_space<vmem>> -> memref<1x128x128xf32, #tpu.memory_space<vmem>>
    %dma_start3A_95 = tpu.memref_squeeze %dma_start3A_94 : memref<1x128x128xf32, #tpu.memory_space<vmem>> -> memref<128x128xf32, #tpu.memory_space<vmem>>
    %dma_start3A_96 = arith.constant 0 : i32
    %dma_start3A_97 = tpu.memref_slice %arg6[%dma_start3A_89, %dma_start3A_90, %dma_start3A_96] : memref<4x2x128xi32, #tpu.memory_space<vmem>> -> memref<1x1x128xi32, #tpu.memory_space<vmem>>
    %dma_start3A_98 = tpu.memref_squeeze %dma_start3A_97 : memref<1x1x128xi32, #tpu.memory_space<vmem>> -> memref<128xi32, #tpu.memory_space<vmem>>
    %dma_start3A_99 = arith.constant 0 : i32
    %dma_start3A_100 = arith.constant 0 : i32
    %dma_start3A_101 = tpu.memref_slice %arg2[%dma_start3A_99, %dma_start3A_100] : memref<10000x128xf32, #tpu.memory_space<hbm>> -> memref<10000x128xf32, #tpu.memory_space<hbm>>
    tpu.enqueue_indirect_dma source(%dma_start3A_101 : memref<10000x128xf32, #tpu.memory_space<hbm>>) target(%dma_start3A_95 : memref<128x128xf32, #tpu.memory_space<vmem>>) offsets(%dma_start3A_98 : memref<128xi32, #tpu.memory_space<vmem>>) semaphore(%arg13 : memref<!tpu.dma_semaphore, #tpu.memory_space<semaphore_mem>>)
    %scan3A = arith.constant 0 : i32
    %scan3A_102 = arith.constant 20 : i32
    %scan3A_103 = arith.addi %scan3A, %scan3A_102 : i32
    %scan3A_104 = arith.constant 1 : i32
    scf.for %scan3A_133 = %scan3A to %scan3A_103 step %scan3A_104  : i32 {
      %mul3A_134 = arith.constant 1 : i32
      %mul3A_135 = arith.muli %scan3A_133, %mul3A_134 : i32
      %add3A = arith.constant 0 : i32
      %add3A_136 = arith.addi %add3A, %mul3A_135 : i32
      %mul3A_137 = arith.constant 4 : i32
      %mul3A_138 = arith.muli %add3A_136, %mul3A_137 : i32
      %add3A_139 = arith.constant 0 : i32
      %add3A_140 = arith.addi %mul3A_138, %add3A_139 : i32
      %ge3A = arith.constant 1 : i32
      %ge3A_141 = arith.cmpi sge, %add3A_140, %ge3A : i32
      %add3A_142 = arith.constant 1 : i32
      %add3A_143 = arith.addi %add3A_140, %add3A_142 : i32
      %lt3A = arith.constant 80 : i32
      %lt3A_144 = arith.cmpi slt, %add3A_143, %lt3A : i32
      %and3A = arith.andi %ge3A_141, %lt3A_144 : i1
      %convert_element_type3A = arith.extui %and3A : i1 to i32
      %cond3A = arith.constant 0 : i32
      %cond3A_145 = arith.cmpi ne, %convert_element_type3A, %cond3A : i32
      scf.if %cond3A_145 {
        %sub3A_361 = arith.constant 1 : i32
        %sub3A_362 = arith.subi %add3A_140, %sub3A_361 : i32
        %dma_wait3A_363 = arith.constant 1 : i32
        %dma_wait3A_364 = arith.constant 3 : i32
        %dma_wait3A_365 = arith.constant 1 : i32
        %dma_wait3A_366 = arith.constant 0 : i32
        %dma_wait3A_367 = arith.constant 0 : i32
        %dma_wait3A_368 = tpu.memref_slice %arg7[%dma_wait3A_363, %dma_wait3A_366, %dma_wait3A_367] : memref<2x128x128xf32, #tpu.memory_space<vmem>> -> memref<1x128x128xf32, #tpu.memory_space<vmem>>
        %dma_wait3A_369 = tpu.memref_squeeze %dma_wait3A_368 : memref<1x128x128xf32, #tpu.memory_space<vmem>> -> memref<128x128xf32, #tpu.memory_space<vmem>>
        %dma_wait3A_370 = arith.constant 0 : i32
        %dma_wait3A_371 = tpu.memref_slice %arg6[%dma_wait3A_364, %dma_wait3A_365, %dma_wait3A_370] : memref<4x2x128xi32, #tpu.memory_space<vmem>> -> memref<1x1x128xi32, #tpu.memory_space<vmem>>
        %dma_wait3A_372 = tpu.memref_squeeze %dma_wait3A_371 : memref<1x1x128xi32, #tpu.memory_space<vmem>> -> memref<128xi32, #tpu.memory_space<vmem>>
        %dma_wait3A_373 = arith.constant 0 : i32
        %dma_wait3A_374 = arith.constant 0 : i32
        %dma_wait3A_375 = tpu.memref_slice %arg8[%dma_wait3A_373, %dma_wait3A_374] : memref<10112x128xf32, #tpu.memory_space<vmem_shared>> -> memref<10112x128xf32, #tpu.memory_space<vmem_shared>>
        tpu.wait_indirect_dma semaphore(%arg16 : memref<!tpu.dma_semaphore, #tpu.memory_space<semaphore_mem>>) src(%dma_wait3A_369 : memref<128x128xf32, #tpu.memory_space<vmem>>) dst(%dma_wait3A_375 : memref<10112x128xf32, #tpu.memory_space<vmem_shared>>)
      } else {
      }
      %ge3A_146 = arith.constant 1 : i32
      %ge3A_147 = arith.cmpi sge, %add3A_140, %ge3A_146 : i32
      %add3A_148 = arith.constant 4 : i32
      %add3A_149 = arith.addi %add3A_140, %add3A_148 : i32
      %sub3A = arith.constant 1 : i32
      %sub3A_150 = arith.subi %add3A_149, %sub3A : i32
      %lt3A_151 = arith.constant 80 : i32
      %lt3A_152 = arith.cmpi slt, %sub3A_150, %lt3A_151 : i32
      %and3A_153 = arith.andi %ge3A_147, %lt3A_152 : i1
      %convert_element_type3A_154 = arith.extui %and3A_153 : i1 to i32
      %cond3A_155 = arith.constant 0 : i32
      %cond3A_156 = arith.cmpi ne, %convert_element_type3A_154, %cond3A_155 : i32
      scf.if %cond3A_156 {
        %add3A_361 = arith.constant 4 : i32
        %add3A_362 = arith.addi %add3A_140, %add3A_361 : i32
        %sub3A_363 = arith.constant 1 : i32
        %sub3A_364 = arith.subi %add3A_362, %sub3A_363 : i32
        %dma_start3A_365 = arith.constant 3 : i32
        %dma_start3A_366 = arith.constant 0 : i32
        %dma_start3A_367 = arith.constant 0 : i32
        %dma_start3A_368 = tpu.memref_slice %arg6[%dma_start3A_365, %dma_start3A_366, %dma_start3A_367] : memref<4x2x128xi32, #tpu.memory_space<vmem>> -> memref<1x2x128xi32, #tpu.memory_space<vmem>>
        %dma_start3A_369 = tpu.memref_squeeze %dma_start3A_368 : memref<1x2x128xi32, #tpu.memory_space<vmem>> -> memref<2x128xi32, #tpu.memory_space<vmem>>
        %dma_start3A_370 = arith.constant 0 : i32
        %dma_start3A_371 = arith.constant 0 : i32
        %dma_start3A_372 = tpu.memref_slice %arg3[%arg0, %arg1, %sub3A_364, %dma_start3A_370, %dma_start3A_371] : memref<2x16x80x2x128xi32, #tpu.memory_space<hbm>> -> memref<1x1x1x2x128xi32, #tpu.memory_space<hbm>>
        %dma_start3A_373 = tpu.memref_squeeze %dma_start3A_372 : memref<1x1x1x2x128xi32, #tpu.memory_space<hbm>> -> memref<2x128xi32, #tpu.memory_space<hbm>>
        %dma_start3A_374 = arith.constant 0 : i32
        %dma_start3A_375 = arith.constant 0 : i32
        %dma_start3A_376 = tpu.memref_slice %arg6[%dma_start3A_365, %dma_start3A_374, %dma_start3A_375] : memref<4x2x128xi32, #tpu.memory_space<vmem>> -> memref<1x2x128xi32, #tpu.memory_space<vmem>>
        %dma_start3A_377 = tpu.memref_squeeze %dma_start3A_376 : memref<1x2x128xi32, #tpu.memory_space<vmem>> -> memref<2x128xi32, #tpu.memory_space<vmem>>
        %dma_start3A_378 = arith.constant 0 : i32
        %dma_start3A_379 = arith.constant 0 : i32
        %dma_start3A_380 = tpu.memref_slice %arg3[%arg0, %arg1, %sub3A_364, %dma_start3A_378, %dma_start3A_379] : memref<2x16x80x2x128xi32, #tpu.memory_space<hbm>> -> memref<1x1x1x2x128xi32, #tpu.memory_space<hbm>>
        %dma_start3A_381 = tpu.memref_squeeze %dma_start3A_380 : memref<1x1x1x2x128xi32, #tpu.memory_space<hbm>> -> memref<2x128xi32, #tpu.memory_space<hbm>>
        tpu.enqueue_dma source(%dma_start3A_381 : memref<2x128xi32, #tpu.memory_space<hbm>>) target(%dma_start3A_377 : memref<2x128xi32, #tpu.memory_space<vmem>>) target_semaphore(%arg12 : memref<!tpu.dma_semaphore, #tpu.memory_space<semaphore_mem>>)
      } else {
      }
      %add3A_157 = arith.constant 1 : i32
      %add3A_158 = arith.addi %add3A_140, %add3A_157 : i32
      %lt3A_159 = arith.constant 80 : i32
      %lt3A_160 = arith.cmpi slt, %add3A_158, %lt3A_159 : i32
      %convert_element_type3A_161 = arith.extui %lt3A_160 : i1 to i32
      %cond3A_162 = arith.constant 0 : i32
      %cond3A_163 = arith.cmpi ne, %convert_element_type3A_161, %cond3A_162 : i32
      scf.if %cond3A_163 {
        %add3A_361 = arith.constant 1 : i32
        %add3A_362 = arith.addi %add3A_140, %add3A_361 : i32
        %dma_wait3A_363 = arith.constant 1 : i32
        %dma_wait3A_364 = arith.constant 0 : i32
        %dma_wait3A_365 = arith.constant 0 : i32
        %dma_wait3A_366 = tpu.memref_slice %arg6[%dma_wait3A_363, %dma_wait3A_364, %dma_wait3A_365] : memref<4x2x128xi32, #tpu.memory_space<vmem>> -> memref<1x2x128xi32, #tpu.memory_space<vmem>>
        %dma_wait3A_367 = tpu.memref_squeeze %dma_wait3A_366 : memref<1x2x128xi32, #tpu.memory_space<vmem>> -> memref<2x128xi32, #tpu.memory_space<vmem>>
        %dma_wait3A_368 = arith.constant 0 : i32
        %dma_wait3A_369 = arith.constant 0 : i32
        %dma_wait3A_370 = tpu.memref_slice %arg3[%arg0, %arg1, %add3A_362, %dma_wait3A_368, %dma_wait3A_369] : memref<2x16x80x2x128xi32, #tpu.memory_space<hbm>> -> memref<1x1x1x2x128xi32, #tpu.memory_space<hbm>>
        %dma_wait3A_371 = tpu.memref_squeeze %dma_wait3A_370 : memref<1x1x1x2x128xi32, #tpu.memory_space<hbm>> -> memref<2x128xi32, #tpu.memory_space<hbm>>
        %dma_wait3A_372 = arith.constant 0 : i32
        %dma_wait3A_373 = arith.constant 0 : i32
        %dma_wait3A_374 = tpu.memref_slice %arg6[%dma_wait3A_363, %dma_wait3A_372, %dma_wait3A_373] : memref<4x2x128xi32, #tpu.memory_space<vmem>> -> memref<1x2x128xi32, #tpu.memory_space<vmem>>
        %dma_wait3A_375 = tpu.memref_squeeze %dma_wait3A_374 : memref<1x2x128xi32, #tpu.memory_space<vmem>> -> memref<2x128xi32, #tpu.memory_space<vmem>>
        %dma_wait3A_376 = arith.constant 0 : i32
        %dma_wait3A_377 = arith.constant 0 : i32
        %dma_wait3A_378 = tpu.memref_slice %arg3[%arg0, %arg1, %add3A_362, %dma_wait3A_376, %dma_wait3A_377] : memref<2x16x80x2x128xi32, #tpu.memory_space<hbm>> -> memref<1x1x1x2x128xi32, #tpu.memory_space<hbm>>
        %dma_wait3A_379 = tpu.memref_squeeze %dma_wait3A_378 : memref<1x1x1x2x128xi32, #tpu.memory_space<hbm>> -> memref<2x128xi32, #tpu.memory_space<hbm>>
        tpu.wait_dma2 semaphore(%arg10 : memref<!tpu.dma_semaphore, #tpu.memory_space<semaphore_mem>>) src(%dma_wait3A_379 : memref<2x128xi32, #tpu.memory_space<hbm>>) dst(%dma_wait3A_375 : memref<2x128xi32, #tpu.memory_space<vmem>>)
        %add3A_380 = arith.constant 1 : i32
        %add3A_381 = arith.addi %add3A_140, %add3A_380 : i32
        %dma_start3A_382 = arith.constant 1 : i32
        %dma_start3A_383 = arith.constant 0 : i32
        %dma_start3A_384 = arith.constant 1 : i32
        %dma_start3A_385 = arith.constant 0 : i32
        %dma_start3A_386 = arith.constant 0 : i32
        %dma_start3A_387 = tpu.memref_slice %arg7[%dma_start3A_384, %dma_start3A_385, %dma_start3A_386] : memref<2x128x128xf32, #tpu.memory_space<vmem>> -> memref<1x128x128xf32, #tpu.memory_space<vmem>>
        %dma_start3A_388 = tpu.memref_squeeze %dma_start3A_387 : memref<1x128x128xf32, #tpu.memory_space<vmem>> -> memref<128x128xf32, #tpu.memory_space<vmem>>
        %dma_start3A_389 = arith.constant 0 : i32
        %dma_start3A_390 = tpu.memref_slice %arg6[%dma_start3A_382, %dma_start3A_383, %dma_start3A_389] : memref<4x2x128xi32, #tpu.memory_space<vmem>> -> memref<1x1x128xi32, #tpu.memory_space<vmem>>
        %dma_start3A_391 = tpu.memref_squeeze %dma_start3A_390 : memref<1x1x128xi32, #tpu.memory_space<vmem>> -> memref<128xi32, #tpu.memory_space<vmem>>
        %dma_start3A_392 = arith.constant 0 : i32
        %dma_start3A_393 = arith.constant 0 : i32
        %dma_start3A_394 = tpu.memref_slice %arg2[%dma_start3A_392, %dma_start3A_393] : memref<10000x128xf32, #tpu.memory_space<hbm>> -> memref<10000x128xf32, #tpu.memory_space<hbm>>
        tpu.enqueue_indirect_dma source(%dma_start3A_394 : memref<10000x128xf32, #tpu.memory_space<hbm>>) target(%dma_start3A_388 : memref<128x128xf32, #tpu.memory_space<vmem>>) offsets(%dma_start3A_391 : memref<128xi32, #tpu.memory_space<vmem>>) semaphore(%arg14 : memref<!tpu.dma_semaphore, #tpu.memory_space<semaphore_mem>>)
      } else {
      }
      %dma_wait3A_164 = arith.constant 0 : i32
      %dma_wait3A_165 = arith.constant 0 : i32
      %dma_wait3A_166 = arith.constant 0 : i32
      %dma_wait3A_167 = arith.constant 0 : i32
      %dma_wait3A_168 = arith.constant 0 : i32
      %dma_wait3A_169 = tpu.memref_slice %arg7[%dma_wait3A_166, %dma_wait3A_167, %dma_wait3A_168] : memref<2x128x128xf32, #tpu.memory_space<vmem>> -> memref<1x128x128xf32, #tpu.memory_space<vmem>>
      %dma_wait3A_170 = tpu.memref_squeeze %dma_wait3A_169 : memref<1x128x128xf32, #tpu.memory_space<vmem>> -> memref<128x128xf32, #tpu.memory_space<vmem>>
      %dma_wait3A_171 = arith.constant 0 : i32
      %dma_wait3A_172 = tpu.memref_slice %arg6[%dma_wait3A_164, %dma_wait3A_165, %dma_wait3A_171] : memref<4x2x128xi32, #tpu.memory_space<vmem>> -> memref<1x1x128xi32, #tpu.memory_space<vmem>>
      %dma_wait3A_173 = tpu.memref_squeeze %dma_wait3A_172 : memref<1x1x128xi32, #tpu.memory_space<vmem>> -> memref<128xi32, #tpu.memory_space<vmem>>
      %dma_wait3A_174 = arith.constant 0 : i32
      %dma_wait3A_175 = arith.constant 0 : i32
      %dma_wait3A_176 = tpu.memref_slice %arg2[%dma_wait3A_174, %dma_wait3A_175] : memref<10000x128xf32, #tpu.memory_space<hbm>> -> memref<10000x128xf32, #tpu.memory_space<hbm>>
      tpu.wait_indirect_dma semaphore(%arg13 : memref<!tpu.dma_semaphore, #tpu.memory_space<semaphore_mem>>) src(%dma_wait3A_176 : memref<10000x128xf32, #tpu.memory_space<hbm>>) dst(%dma_wait3A_170 : memref<128x128xf32, #tpu.memory_space<vmem>>)
      %dma_start3A_177 = arith.constant 0 : i32
      %dma_start3A_178 = arith.constant 0 : i32
      %dma_start3A_179 = arith.constant 1 : i32
      %dma_start3A_180 = arith.constant 0 : i32
      %dma_start3A_181 = arith.constant 0 : i32
      %dma_start3A_182 = tpu.memref_slice %arg7[%dma_start3A_177, %dma_start3A_180, %dma_start3A_181] : memref<2x128x128xf32, #tpu.memory_space<vmem>> -> memref<1x128x128xf32, #tpu.memory_space<vmem>>
      %dma_start3A_183 = tpu.memref_squeeze %dma_start3A_182 : memref<1x128x128xf32, #tpu.memory_space<vmem>> -> memref<128x128xf32, #tpu.memory_space<vmem>>
      %dma_start3A_184 = arith.constant 0 : i32
      %dma_start3A_185 = tpu.memref_slice %arg6[%dma_start3A_178, %dma_start3A_179, %dma_start3A_184] : memref<4x2x128xi32, #tpu.memory_space<vmem>> -> memref<1x1x128xi32, #tpu.memory_space<vmem>>
      %dma_start3A_186 = tpu.memref_squeeze %dma_start3A_185 : memref<1x1x128xi32, #tpu.memory_space<vmem>> -> memref<128xi32, #tpu.memory_space<vmem>>
      %dma_start3A_187 = arith.constant 0 : i32
      %dma_start3A_188 = arith.constant 0 : i32
      %dma_start3A_189 = tpu.memref_slice %arg8[%dma_start3A_187, %dma_start3A_188] : memref<10112x128xf32, #tpu.memory_space<vmem_shared>> -> memref<10112x128xf32, #tpu.memory_space<vmem_shared>>
      tpu.enqueue_indirect_dma source(%dma_start3A_183 : memref<128x128xf32, #tpu.memory_space<vmem>>) target(%dma_start3A_189 : memref<10112x128xf32, #tpu.memory_space<vmem_shared>>) offsets(%dma_start3A_186 : memref<128xi32, #tpu.memory_space<vmem>>) semaphore(%arg15 : memref<!tpu.dma_semaphore, #tpu.memory_space<semaphore_mem>>) {add = true}
      %add3A_190 = arith.constant 1 : i32
      %add3A_191 = arith.addi %mul3A_138, %add3A_190 : i32
      %ge3A_192 = arith.constant 1 : i32
      %ge3A_193 = arith.cmpi sge, %add3A_191, %ge3A_192 : i32
      %add3A_194 = arith.constant 1 : i32
      %add3A_195 = arith.addi %add3A_191, %add3A_194 : i32
      %lt3A_196 = arith.constant 80 : i32
      %lt3A_197 = arith.cmpi slt, %add3A_195, %lt3A_196 : i32
      %and3A_198 = arith.andi %ge3A_193, %lt3A_197 : i1
      %convert_element_type3A_199 = arith.extui %and3A_198 : i1 to i32
      %cond3A_200 = arith.constant 0 : i32
      %cond3A_201 = arith.cmpi ne, %convert_element_type3A_199, %cond3A_200 : i32
      scf.if %cond3A_201 {
        %sub3A_361 = arith.constant 1 : i32
        %sub3A_362 = arith.subi %add3A_191, %sub3A_361 : i32
        %dma_wait3A_363 = arith.constant 0 : i32
        %dma_wait3A_364 = arith.constant 0 : i32
        %dma_wait3A_365 = arith.constant 1 : i32
        %dma_wait3A_366 = arith.constant 0 : i32
        %dma_wait3A_367 = arith.constant 0 : i32
        %dma_wait3A_368 = tpu.memref_slice %arg7[%dma_wait3A_363, %dma_wait3A_366, %dma_wait3A_367] : memref<2x128x128xf32, #tpu.memory_space<vmem>> -> memref<1x128x128xf32, #tpu.memory_space<vmem>>
        %dma_wait3A_369 = tpu.memref_squeeze %dma_wait3A_368 : memref<1x128x128xf32, #tpu.memory_space<vmem>> -> memref<128x128xf32, #tpu.memory_space<vmem>>
        %dma_wait3A_370 = arith.constant 0 : i32
        %dma_wait3A_371 = tpu.memref_slice %arg6[%dma_wait3A_364, %dma_wait3A_365, %dma_wait3A_370] : memref<4x2x128xi32, #tpu.memory_space<vmem>> -> memref<1x1x128xi32, #tpu.memory_space<vmem>>
        %dma_wait3A_372 = tpu.memref_squeeze %dma_wait3A_371 : memref<1x1x128xi32, #tpu.memory_space<vmem>> -> memref<128xi32, #tpu.memory_space<vmem>>
        %dma_wait3A_373 = arith.constant 0 : i32
        %dma_wait3A_374 = arith.constant 0 : i32
        %dma_wait3A_375 = tpu.memref_slice %arg8[%dma_wait3A_373, %dma_wait3A_374] : memref<10112x128xf32, #tpu.memory_space<vmem_shared>> -> memref<10112x128xf32, #tpu.memory_space<vmem_shared>>
        tpu.wait_indirect_dma semaphore(%arg15 : memref<!tpu.dma_semaphore, #tpu.memory_space<semaphore_mem>>) src(%dma_wait3A_369 : memref<128x128xf32, #tpu.memory_space<vmem>>) dst(%dma_wait3A_375 : memref<10112x128xf32, #tpu.memory_space<vmem_shared>>)
      } else {
      }
      %ge3A_202 = arith.constant 1 : i32
      %ge3A_203 = arith.cmpi sge, %add3A_191, %ge3A_202 : i32
      %add3A_204 = arith.constant 4 : i32
      %add3A_205 = arith.addi %add3A_191, %add3A_204 : i32
      %sub3A_206 = arith.constant 1 : i32
      %sub3A_207 = arith.subi %add3A_205, %sub3A_206 : i32
      %lt3A_208 = arith.constant 80 : i32
      %lt3A_209 = arith.cmpi slt, %sub3A_207, %lt3A_208 : i32
      %and3A_210 = arith.andi %ge3A_203, %lt3A_209 : i1
      %convert_element_type3A_211 = arith.extui %and3A_210 : i1 to i32
      %cond3A_212 = arith.constant 0 : i32
      %cond3A_213 = arith.cmpi ne, %convert_element_type3A_211, %cond3A_212 : i32
      scf.if %cond3A_213 {
        %add3A_361 = arith.constant 4 : i32
        %add3A_362 = arith.addi %add3A_191, %add3A_361 : i32
        %sub3A_363 = arith.constant 1 : i32
        %sub3A_364 = arith.subi %add3A_362, %sub3A_363 : i32
        %dma_start3A_365 = arith.constant 0 : i32
        %dma_start3A_366 = arith.constant 0 : i32
        %dma_start3A_367 = arith.constant 0 : i32
        %dma_start3A_368 = tpu.memref_slice %arg6[%dma_start3A_365, %dma_start3A_366, %dma_start3A_367] : memref<4x2x128xi32, #tpu.memory_space<vmem>> -> memref<1x2x128xi32, #tpu.memory_space<vmem>>
        %dma_start3A_369 = tpu.memref_squeeze %dma_start3A_368 : memref<1x2x128xi32, #tpu.memory_space<vmem>> -> memref<2x128xi32, #tpu.memory_space<vmem>>
        %dma_start3A_370 = arith.constant 0 : i32
        %dma_start3A_371 = arith.constant 0 : i32
        %dma_start3A_372 = tpu.memref_slice %arg3[%arg0, %arg1, %sub3A_364, %dma_start3A_370, %dma_start3A_371] : memref<2x16x80x2x128xi32, #tpu.memory_space<hbm>> -> memref<1x1x1x2x128xi32, #tpu.memory_space<hbm>>
        %dma_start3A_373 = tpu.memref_squeeze %dma_start3A_372 : memref<1x1x1x2x128xi32, #tpu.memory_space<hbm>> -> memref<2x128xi32, #tpu.memory_space<hbm>>
        %dma_start3A_374 = arith.constant 0 : i32
        %dma_start3A_375 = arith.constant 0 : i32
        %dma_start3A_376 = tpu.memref_slice %arg6[%dma_start3A_365, %dma_start3A_374, %dma_start3A_375] : memref<4x2x128xi32, #tpu.memory_space<vmem>> -> memref<1x2x128xi32, #tpu.memory_space<vmem>>
        %dma_start3A_377 = tpu.memref_squeeze %dma_start3A_376 : memref<1x2x128xi32, #tpu.memory_space<vmem>> -> memref<2x128xi32, #tpu.memory_space<vmem>>
        %dma_start3A_378 = arith.constant 0 : i32
        %dma_start3A_379 = arith.constant 0 : i32
        %dma_start3A_380 = tpu.memref_slice %arg3[%arg0, %arg1, %sub3A_364, %dma_start3A_378, %dma_start3A_379] : memref<2x16x80x2x128xi32, #tpu.memory_space<hbm>> -> memref<1x1x1x2x128xi32, #tpu.memory_space<hbm>>
        %dma_start3A_381 = tpu.memref_squeeze %dma_start3A_380 : memref<1x1x1x2x128xi32, #tpu.memory_space<hbm>> -> memref<2x128xi32, #tpu.memory_space<hbm>>
        tpu.enqueue_dma source(%dma_start3A_381 : memref<2x128xi32, #tpu.memory_space<hbm>>) target(%dma_start3A_377 : memref<2x128xi32, #tpu.memory_space<vmem>>) target_semaphore(%arg9 : memref<!tpu.dma_semaphore, #tpu.memory_space<semaphore_mem>>)
      } else {
      }
      %add3A_214 = arith.constant 1 : i32
      %add3A_215 = arith.addi %add3A_191, %add3A_214 : i32
      %lt3A_216 = arith.constant 80 : i32
      %lt3A_217 = arith.cmpi slt, %add3A_215, %lt3A_216 : i32
      %convert_element_type3A_218 = arith.extui %lt3A_217 : i1 to i32
      %cond3A_219 = arith.constant 0 : i32
      %cond3A_220 = arith.cmpi ne, %convert_element_type3A_218, %cond3A_219 : i32
      scf.if %cond3A_220 {
        %add3A_361 = arith.constant 1 : i32
        %add3A_362 = arith.addi %add3A_191, %add3A_361 : i32
        %dma_wait3A_363 = arith.constant 2 : i32
        %dma_wait3A_364 = arith.constant 0 : i32
        %dma_wait3A_365 = arith.constant 0 : i32
        %dma_wait3A_366 = tpu.memref_slice %arg6[%dma_wait3A_363, %dma_wait3A_364, %dma_wait3A_365] : memref<4x2x128xi32, #tpu.memory_space<vmem>> -> memref<1x2x128xi32, #tpu.memory_space<vmem>>
        %dma_wait3A_367 = tpu.memref_squeeze %dma_wait3A_366 : memref<1x2x128xi32, #tpu.memory_space<vmem>> -> memref<2x128xi32, #tpu.memory_space<vmem>>
        %dma_wait3A_368 = arith.constant 0 : i32
        %dma_wait3A_369 = arith.constant 0 : i32
        %dma_wait3A_370 = tpu.memref_slice %arg3[%arg0, %arg1, %add3A_362, %dma_wait3A_368, %dma_wait3A_369] : memref<2x16x80x2x128xi32, #tpu.memory_space<hbm>> -> memref<1x1x1x2x128xi32, #tpu.memory_space<hbm>>
        %dma_wait3A_371 = tpu.memref_squeeze %dma_wait3A_370 : memref<1x1x1x2x128xi32, #tpu.memory_space<hbm>> -> memref<2x128xi32, #tpu.memory_space<hbm>>
        %dma_wait3A_372 = arith.constant 0 : i32
        %dma_wait3A_373 = arith.constant 0 : i32
        %dma_wait3A_374 = tpu.memref_slice %arg6[%dma_wait3A_363, %dma_wait3A_372, %dma_wait3A_373] : memref<4x2x128xi32, #tpu.memory_space<vmem>> -> memref<1x2x128xi32, #tpu.memory_space<vmem>>
        %dma_wait3A_375 = tpu.memref_squeeze %dma_wait3A_374 : memref<1x2x128xi32, #tpu.memory_space<vmem>> -> memref<2x128xi32, #tpu.memory_space<vmem>>
        %dma_wait3A_376 = arith.constant 0 : i32
        %dma_wait3A_377 = arith.constant 0 : i32
        %dma_wait3A_378 = tpu.memref_slice %arg3[%arg0, %arg1, %add3A_362, %dma_wait3A_376, %dma_wait3A_377] : memref<2x16x80x2x128xi32, #tpu.memory_space<hbm>> -> memref<1x1x1x2x128xi32, #tpu.memory_space<hbm>>
        %dma_wait3A_379 = tpu.memref_squeeze %dma_wait3A_378 : memref<1x1x1x2x128xi32, #tpu.memory_space<hbm>> -> memref<2x128xi32, #tpu.memory_space<hbm>>
        tpu.wait_dma2 semaphore(%arg11 : memref<!tpu.dma_semaphore, #tpu.memory_space<semaphore_mem>>) src(%dma_wait3A_379 : memref<2x128xi32, #tpu.memory_space<hbm>>) dst(%dma_wait3A_375 : memref<2x128xi32, #tpu.memory_space<vmem>>)
        %add3A_380 = arith.constant 1 : i32
        %add3A_381 = arith.addi %add3A_191, %add3A_380 : i32
        %dma_start3A_382 = arith.constant 2 : i32
        %dma_start3A_383 = arith.constant 0 : i32
        %dma_start3A_384 = arith.constant 0 : i32
        %dma_start3A_385 = arith.constant 0 : i32
        %dma_start3A_386 = arith.constant 0 : i32
        %dma_start3A_387 = tpu.memref_slice %arg7[%dma_start3A_384, %dma_start3A_385, %dma_start3A_386] : memref<2x128x128xf32, #tpu.memory_space<vmem>> -> memref<1x128x128xf32, #tpu.memory_space<vmem>>
        %dma_start3A_388 = tpu.memref_squeeze %dma_start3A_387 : memref<1x128x128xf32, #tpu.memory_space<vmem>> -> memref<128x128xf32, #tpu.memory_space<vmem>>
        %dma_start3A_389 = arith.constant 0 : i32
        %dma_start3A_390 = tpu.memref_slice %arg6[%dma_start3A_382, %dma_start3A_383, %dma_start3A_389] : memref<4x2x128xi32, #tpu.memory_space<vmem>> -> memref<1x1x128xi32, #tpu.memory_space<vmem>>
        %dma_start3A_391 = tpu.memref_squeeze %dma_start3A_390 : memref<1x1x128xi32, #tpu.memory_space<vmem>> -> memref<128xi32, #tpu.memory_space<vmem>>
        %dma_start3A_392 = arith.constant 0 : i32
        %dma_start3A_393 = arith.constant 0 : i32
        %dma_start3A_394 = tpu.memref_slice %arg2[%dma_start3A_392, %dma_start3A_393] : memref<10000x128xf32, #tpu.memory_space<hbm>> -> memref<10000x128xf32, #tpu.memory_space<hbm>>
        tpu.enqueue_indirect_dma source(%dma_start3A_394 : memref<10000x128xf32, #tpu.memory_space<hbm>>) target(%dma_start3A_388 : memref<128x128xf32, #tpu.memory_space<vmem>>) offsets(%dma_start3A_391 : memref<128xi32, #tpu.memory_space<vmem>>) semaphore(%arg13 : memref<!tpu.dma_semaphore, #tpu.memory_space<semaphore_mem>>)
      } else {
      }
      %dma_wait3A_221 = arith.constant 1 : i32
      %dma_wait3A_222 = arith.constant 0 : i32
      %dma_wait3A_223 = arith.constant 1 : i32
      %dma_wait3A_224 = arith.constant 0 : i32
      %dma_wait3A_225 = arith.constant 0 : i32
      %dma_wait3A_226 = tpu.memref_slice %arg7[%dma_wait3A_223, %dma_wait3A_224, %dma_wait3A_225] : memref<2x128x128xf32, #tpu.memory_space<vmem>> -> memref<1x128x128xf32, #tpu.memory_space<vmem>>
      %dma_wait3A_227 = tpu.memref_squeeze %dma_wait3A_226 : memref<1x128x128xf32, #tpu.memory_space<vmem>> -> memref<128x128xf32, #tpu.memory_space<vmem>>
      %dma_wait3A_228 = arith.constant 0 : i32
      %dma_wait3A_229 = tpu.memref_slice %arg6[%dma_wait3A_221, %dma_wait3A_222, %dma_wait3A_228] : memref<4x2x128xi32, #tpu.memory_space<vmem>> -> memref<1x1x128xi32, #tpu.memory_space<vmem>>
      %dma_wait3A_230 = tpu.memref_squeeze %dma_wait3A_229 : memref<1x1x128xi32, #tpu.memory_space<vmem>> -> memref<128xi32, #tpu.memory_space<vmem>>
      %dma_wait3A_231 = arith.constant 0 : i32
      %dma_wait3A_232 = arith.constant 0 : i32
      %dma_wait3A_233 = tpu.memref_slice %arg2[%dma_wait3A_231, %dma_wait3A_232] : memref<10000x128xf32, #tpu.memory_space<hbm>> -> memref<10000x128xf32, #tpu.memory_space<hbm>>
      tpu.wait_indirect_dma semaphore(%arg14 : memref<!tpu.dma_semaphore, #tpu.memory_space<semaphore_mem>>) src(%dma_wait3A_233 : memref<10000x128xf32, #tpu.memory_space<hbm>>) dst(%dma_wait3A_227 : memref<128x128xf32, #tpu.memory_space<vmem>>)
      %dma_start3A_234 = arith.constant 1 : i32
      %dma_start3A_235 = arith.constant 1 : i32
      %dma_start3A_236 = arith.constant 1 : i32
      %dma_start3A_237 = arith.constant 0 : i32
      %dma_start3A_238 = arith.constant 0 : i32
      %dma_start3A_239 = tpu.memref_slice %arg7[%dma_start3A_234, %dma_start3A_237, %dma_start3A_238] : memref<2x128x128xf32, #tpu.memory_space<vmem>> -> memref<1x128x128xf32, #tpu.memory_space<vmem>>
      %dma_start3A_240 = tpu.memref_squeeze %dma_start3A_239 : memref<1x128x128xf32, #tpu.memory_space<vmem>> -> memref<128x128xf32, #tpu.memory_space<vmem>>
      %dma_start3A_241 = arith.constant 0 : i32
      %dma_start3A_242 = tpu.memref_slice %arg6[%dma_start3A_235, %dma_start3A_236, %dma_start3A_241] : memref<4x2x128xi32, #tpu.memory_space<vmem>> -> memref<1x1x128xi32, #tpu.memory_space<vmem>>
      %dma_start3A_243 = tpu.memref_squeeze %dma_start3A_242 : memref<1x1x128xi32, #tpu.memory_space<vmem>> -> memref<128xi32, #tpu.memory_space<vmem>>
      %dma_start3A_244 = arith.constant 0 : i32
      %dma_start3A_245 = arith.constant 0 : i32
      %dma_start3A_246 = tpu.memref_slice %arg8[%dma_start3A_244, %dma_start3A_245] : memref<10112x128xf32, #tpu.memory_space<vmem_shared>> -> memref<10112x128xf32, #tpu.memory_space<vmem_shared>>
      tpu.enqueue_indirect_dma source(%dma_start3A_240 : memref<128x128xf32, #tpu.memory_space<vmem>>) target(%dma_start3A_246 : memref<10112x128xf32, #tpu.memory_space<vmem_shared>>) offsets(%dma_start3A_243 : memref<128xi32, #tpu.memory_space<vmem>>) semaphore(%arg16 : memref<!tpu.dma_semaphore, #tpu.memory_space<semaphore_mem>>) {add = true}
      %add3A_247 = arith.constant 2 : i32
      %add3A_248 = arith.addi %mul3A_138, %add3A_247 : i32
      %ge3A_249 = arith.constant 1 : i32
      %ge3A_250 = arith.cmpi sge, %add3A_248, %ge3A_249 : i32
      %add3A_251 = arith.constant 1 : i32
      %add3A_252 = arith.addi %add3A_248, %add3A_251 : i32
      %lt3A_253 = arith.constant 80 : i32
      %lt3A_254 = arith.cmpi slt, %add3A_252, %lt3A_253 : i32
      %and3A_255 = arith.andi %ge3A_250, %lt3A_254 : i1
      %convert_element_type3A_256 = arith.extui %and3A_255 : i1 to i32
      %cond3A_257 = arith.constant 0 : i32
      %cond3A_258 = arith.cmpi ne, %convert_element_type3A_256, %cond3A_257 : i32
      scf.if %cond3A_258 {
        %sub3A_361 = arith.constant 1 : i32
        %sub3A_362 = arith.subi %add3A_248, %sub3A_361 : i32
        %dma_wait3A_363 = arith.constant 1 : i32
        %dma_wait3A_364 = arith.constant 1 : i32
        %dma_wait3A_365 = arith.constant 1 : i32
        %dma_wait3A_366 = arith.constant 0 : i32
        %dma_wait3A_367 = arith.constant 0 : i32
        %dma_wait3A_368 = tpu.memref_slice %arg7[%dma_wait3A_363, %dma_wait3A_366, %dma_wait3A_367] : memref<2x128x128xf32, #tpu.memory_space<vmem>> -> memref<1x128x128xf32, #tpu.memory_space<vmem>>
        %dma_wait3A_369 = tpu.memref_squeeze %dma_wait3A_368 : memref<1x128x128xf32, #tpu.memory_space<vmem>> -> memref<128x128xf32, #tpu.memory_space<vmem>>
        %dma_wait3A_370 = arith.constant 0 : i32
        %dma_wait3A_371 = tpu.memref_slice %arg6[%dma_wait3A_364, %dma_wait3A_365, %dma_wait3A_370] : memref<4x2x128xi32, #tpu.memory_space<vmem>> -> memref<1x1x128xi32, #tpu.memory_space<vmem>>
        %dma_wait3A_372 = tpu.memref_squeeze %dma_wait3A_371 : memref<1x1x128xi32, #tpu.memory_space<vmem>> -> memref<128xi32, #tpu.memory_space<vmem>>
        %dma_wait3A_373 = arith.constant 0 : i32
        %dma_wait3A_374 = arith.constant 0 : i32
        %dma_wait3A_375 = tpu.memref_slice %arg8[%dma_wait3A_373, %dma_wait3A_374] : memref<10112x128xf32, #tpu.memory_space<vmem_shared>> -> memref<10112x128xf32, #tpu.memory_space<vmem_shared>>
        tpu.wait_indirect_dma semaphore(%arg16 : memref<!tpu.dma_semaphore, #tpu.memory_space<semaphore_mem>>) src(%dma_wait3A_369 : memref<128x128xf32, #tpu.memory_space<vmem>>) dst(%dma_wait3A_375 : memref<10112x128xf32, #tpu.memory_space<vmem_shared>>)
      } else {
      }
      %ge3A_259 = arith.constant 1 : i32
      %ge3A_260 = arith.cmpi sge, %add3A_248, %ge3A_259 : i32
      %add3A_261 = arith.constant 4 : i32
      %add3A_262 = arith.addi %add3A_248, %add3A_261 : i32
      %sub3A_263 = arith.constant 1 : i32
      %sub3A_264 = arith.subi %add3A_262, %sub3A_263 : i32
      %lt3A_265 = arith.constant 80 : i32
      %lt3A_266 = arith.cmpi slt, %sub3A_264, %lt3A_265 : i32
      %and3A_267 = arith.andi %ge3A_260, %lt3A_266 : i1
      %convert_element_type3A_268 = arith.extui %and3A_267 : i1 to i32
      %cond3A_269 = arith.constant 0 : i32
      %cond3A_270 = arith.cmpi ne, %convert_element_type3A_268, %cond3A_269 : i32
      scf.if %cond3A_270 {
        %add3A_361 = arith.constant 4 : i32
        %add3A_362 = arith.addi %add3A_248, %add3A_361 : i32
        %sub3A_363 = arith.constant 1 : i32
        %sub3A_364 = arith.subi %add3A_362, %sub3A_363 : i32
        %dma_start3A_365 = arith.constant 1 : i32
        %dma_start3A_366 = arith.constant 0 : i32
        %dma_start3A_367 = arith.constant 0 : i32
        %dma_start3A_368 = tpu.memref_slice %arg6[%dma_start3A_365, %dma_start3A_366, %dma_start3A_367] : memref<4x2x128xi32, #tpu.memory_space<vmem>> -> memref<1x2x128xi32, #tpu.memory_space<vmem>>
        %dma_start3A_369 = tpu.memref_squeeze %dma_start3A_368 : memref<1x2x128xi32, #tpu.memory_space<vmem>> -> memref<2x128xi32, #tpu.memory_space<vmem>>
        %dma_start3A_370 = arith.constant 0 : i32
        %dma_start3A_371 = arith.constant 0 : i32
        %dma_start3A_372 = tpu.memref_slice %arg3[%arg0, %arg1, %sub3A_364, %dma_start3A_370, %dma_start3A_371] : memref<2x16x80x2x128xi32, #tpu.memory_space<hbm>> -> memref<1x1x1x2x128xi32, #tpu.memory_space<hbm>>
        %dma_start3A_373 = tpu.memref_squeeze %dma_start3A_372 : memref<1x1x1x2x128xi32, #tpu.memory_space<hbm>> -> memref<2x128xi32, #tpu.memory_space<hbm>>
        %dma_start3A_374 = arith.constant 0 : i32
        %dma_start3A_375 = arith.constant 0 : i32
        %dma_start3A_376 = tpu.memref_slice %arg6[%dma_start3A_365, %dma_start3A_374, %dma_start3A_375] : memref<4x2x128xi32, #tpu.memory_space<vmem>> -> memref<1x2x128xi32, #tpu.memory_space<vmem>>
        %dma_start3A_377 = tpu.memref_squeeze %dma_start3A_376 : memref<1x2x128xi32, #tpu.memory_space<vmem>> -> memref<2x128xi32, #tpu.memory_space<vmem>>
        %dma_start3A_378 = arith.constant 0 : i32
        %dma_start3A_379 = arith.constant 0 : i32
        %dma_start3A_380 = tpu.memref_slice %arg3[%arg0, %arg1, %sub3A_364, %dma_start3A_378, %dma_start3A_379] : memref<2x16x80x2x128xi32, #tpu.memory_space<hbm>> -> memref<1x1x1x2x128xi32, #tpu.memory_space<hbm>>
        %dma_start3A_381 = tpu.memref_squeeze %dma_start3A_380 : memref<1x1x1x2x128xi32, #tpu.memory_space<hbm>> -> memref<2x128xi32, #tpu.memory_space<hbm>>
        tpu.enqueue_dma source(%dma_start3A_381 : memref<2x128xi32, #tpu.memory_space<hbm>>) target(%dma_start3A_377 : memref<2x128xi32, #tpu.memory_space<vmem>>) target_semaphore(%arg10 : memref<!tpu.dma_semaphore, #tpu.memory_space<semaphore_mem>>)
      } else {
      }
      %add3A_271 = arith.constant 1 : i32
      %add3A_272 = arith.addi %add3A_248, %add3A_271 : i32
      %lt3A_273 = arith.constant 80 : i32
      %lt3A_274 = arith.cmpi slt, %add3A_272, %lt3A_273 : i32
      %convert_element_type3A_275 = arith.extui %lt3A_274 : i1 to i32
      %cond3A_276 = arith.constant 0 : i32
      %cond3A_277 = arith.cmpi ne, %convert_element_type3A_275, %cond3A_276 : i32
      scf.if %cond3A_277 {
        %add3A_361 = arith.constant 1 : i32
        %add3A_362 = arith.addi %add3A_248, %add3A_361 : i32
        %dma_wait3A_363 = arith.constant 3 : i32
        %dma_wait3A_364 = arith.constant 0 : i32
        %dma_wait3A_365 = arith.constant 0 : i32
        %dma_wait3A_366 = tpu.memref_slice %arg6[%dma_wait3A_363, %dma_wait3A_364, %dma_wait3A_365] : memref<4x2x128xi32, #tpu.memory_space<vmem>> -> memref<1x2x128xi32, #tpu.memory_space<vmem>>
        %dma_wait3A_367 = tpu.memref_squeeze %dma_wait3A_366 : memref<1x2x128xi32, #tpu.memory_space<vmem>> -> memref<2x128xi32, #tpu.memory_space<vmem>>
        %dma_wait3A_368 = arith.constant 0 : i32
        %dma_wait3A_369 = arith.constant 0 : i32
        %dma_wait3A_370 = tpu.memref_slice %arg3[%arg0, %arg1, %add3A_362, %dma_wait3A_368, %dma_wait3A_369] : memref<2x16x80x2x128xi32, #tpu.memory_space<hbm>> -> memref<1x1x1x2x128xi32, #tpu.memory_space<hbm>>
        %dma_wait3A_371 = tpu.memref_squeeze %dma_wait3A_370 : memref<1x1x1x2x128xi32, #tpu.memory_space<hbm>> -> memref<2x128xi32, #tpu.memory_space<hbm>>
        %dma_wait3A_372 = arith.constant 0 : i32
        %dma_wait3A_373 = arith.constant 0 : i32
        %dma_wait3A_374 = tpu.memref_slice %arg6[%dma_wait3A_363, %dma_wait3A_372, %dma_wait3A_373] : memref<4x2x128xi32, #tpu.memory_space<vmem>> -> memref<1x2x128xi32, #tpu.memory_space<vmem>>
        %dma_wait3A_375 = tpu.memref_squeeze %dma_wait3A_374 : memref<1x2x128xi32, #tpu.memory_space<vmem>> -> memref<2x128xi32, #tpu.memory_space<vmem>>
        %dma_wait3A_376 = arith.constant 0 : i32
        %dma_wait3A_377 = arith.constant 0 : i32
        %dma_wait3A_378 = tpu.memref_slice %arg3[%arg0, %arg1, %add3A_362, %dma_wait3A_376, %dma_wait3A_377] : memref<2x16x80x2x128xi32, #tpu.memory_space<hbm>> -> memref<1x1x1x2x128xi32, #tpu.memory_space<hbm>>
        %dma_wait3A_379 = tpu.memref_squeeze %dma_wait3A_378 : memref<1x1x1x2x128xi32, #tpu.memory_space<hbm>> -> memref<2x128xi32, #tpu.memory_space<hbm>>
        tpu.wait_dma2 semaphore(%arg12 : memref<!tpu.dma_semaphore, #tpu.memory_space<semaphore_mem>>) src(%dma_wait3A_379 : memref<2x128xi32, #tpu.memory_space<hbm>>) dst(%dma_wait3A_375 : memref<2x128xi32, #tpu.memory_space<vmem>>)
        %add3A_380 = arith.constant 1 : i32
        %add3A_381 = arith.addi %add3A_248, %add3A_380 : i32
        %dma_start3A_382 = arith.constant 3 : i32
        %dma_start3A_383 = arith.constant 0 : i32
        %dma_start3A_384 = arith.constant 1 : i32
        %dma_start3A_385 = arith.constant 0 : i32
        %dma_start3A_386 = arith.constant 0 : i32
        %dma_start3A_387 = tpu.memref_slice %arg7[%dma_start3A_384, %dma_start3A_385, %dma_start3A_386] : memref<2x128x128xf32, #tpu.memory_space<vmem>> -> memref<1x128x128xf32, #tpu.memory_space<vmem>>
        %dma_start3A_388 = tpu.memref_squeeze %dma_start3A_387 : memref<1x128x128xf32, #tpu.memory_space<vmem>> -> memref<128x128xf32, #tpu.memory_space<vmem>>
        %dma_start3A_389 = arith.constant 0 : i32
        %dma_start3A_390 = tpu.memref_slice %arg6[%dma_start3A_382, %dma_start3A_383, %dma_start3A_389] : memref<4x2x128xi32, #tpu.memory_space<vmem>> -> memref<1x1x128xi32, #tpu.memory_space<vmem>>
        %dma_start3A_391 = tpu.memref_squeeze %dma_start3A_390 : memref<1x1x128xi32, #tpu.memory_space<vmem>> -> memref<128xi32, #tpu.memory_space<vmem>>
        %dma_start3A_392 = arith.constant 0 : i32
        %dma_start3A_393 = arith.constant 0 : i32
        %dma_start3A_394 = tpu.memref_slice %arg2[%dma_start3A_392, %dma_start3A_393] : memref<10000x128xf32, #tpu.memory_space<hbm>> -> memref<10000x128xf32, #tpu.memory_space<hbm>>
        tpu.enqueue_indirect_dma source(%dma_start3A_394 : memref<10000x128xf32, #tpu.memory_space<hbm>>) target(%dma_start3A_388 : memref<128x128xf32, #tpu.memory_space<vmem>>) offsets(%dma_start3A_391 : memref<128xi32, #tpu.memory_space<vmem>>) semaphore(%arg14 : memref<!tpu.dma_semaphore, #tpu.memory_space<semaphore_mem>>)
      } else {
      }
      %dma_wait3A_278 = arith.constant 2 : i32
      %dma_wait3A_279 = arith.constant 0 : i32
      %dma_wait3A_280 = arith.constant 0 : i32
      %dma_wait3A_281 = arith.constant 0 : i32
      %dma_wait3A_282 = arith.constant 0 : i32
      %dma_wait3A_283 = tpu.memref_slice %arg7[%dma_wait3A_280, %dma_wait3A_281, %dma_wait3A_282] : memref<2x128x128xf32, #tpu.memory_space<vmem>> -> memref<1x128x128xf32, #tpu.memory_space<vmem>>
      %dma_wait3A_284 = tpu.memref_squeeze %dma_wait3A_283 : memref<1x128x128xf32, #tpu.memory_space<vmem>> -> memref<128x128xf32, #tpu.memory_space<vmem>>
      %dma_wait3A_285 = arith.constant 0 : i32
      %dma_wait3A_286 = tpu.memref_slice %arg6[%dma_wait3A_278, %dma_wait3A_279, %dma_wait3A_285] : memref<4x2x128xi32, #tpu.memory_space<vmem>> -> memref<1x1x128xi32, #tpu.memory_space<vmem>>
      %dma_wait3A_287 = tpu.memref_squeeze %dma_wait3A_286 : memref<1x1x128xi32, #tpu.memory_space<vmem>> -> memref<128xi32, #tpu.memory_space<vmem>>
      %dma_wait3A_288 = arith.constant 0 : i32
      %dma_wait3A_289 = arith.constant 0 : i32
      %dma_wait3A_290 = tpu.memref_slice %arg2[%dma_wait3A_288, %dma_wait3A_289] : memref<10000x128xf32, #tpu.memory_space<hbm>> -> memref<10000x128xf32, #tpu.memory_space<hbm>>
      tpu.wait_indirect_dma semaphore(%arg13 : memref<!tpu.dma_semaphore, #tpu.memory_space<semaphore_mem>>) src(%dma_wait3A_290 : memref<10000x128xf32, #tpu.memory_space<hbm>>) dst(%dma_wait3A_284 : memref<128x128xf32, #tpu.memory_space<vmem>>)
      %dma_start3A_291 = arith.constant 0 : i32
      %dma_start3A_292 = arith.constant 2 : i32
      %dma_start3A_293 = arith.constant 1 : i32
      %dma_start3A_294 = arith.constant 0 : i32
      %dma_start3A_295 = arith.constant 0 : i32
      %dma_start3A_296 = tpu.memref_slice %arg7[%dma_start3A_291, %dma_start3A_294, %dma_start3A_295] : memref<2x128x128xf32, #tpu.memory_space<vmem>> -> memref<1x128x128xf32, #tpu.memory_space<vmem>>
      %dma_start3A_297 = tpu.memref_squeeze %dma_start3A_296 : memref<1x128x128xf32, #tpu.memory_space<vmem>> -> memref<128x128xf32, #tpu.memory_space<vmem>>
      %dma_start3A_298 = arith.constant 0 : i32
      %dma_start3A_299 = tpu.memref_slice %arg6[%dma_start3A_292, %dma_start3A_293, %dma_start3A_298] : memref<4x2x128xi32, #tpu.memory_space<vmem>> -> memref<1x1x128xi32, #tpu.memory_space<vmem>>
      %dma_start3A_300 = tpu.memref_squeeze %dma_start3A_299 : memref<1x1x128xi32, #tpu.memory_space<vmem>> -> memref<128xi32, #tpu.memory_space<vmem>>
      %dma_start3A_301 = arith.constant 0 : i32
      %dma_start3A_302 = arith.constant 0 : i32
      %dma_start3A_303 = tpu.memref_slice %arg8[%dma_start3A_301, %dma_start3A_302] : memref<10112x128xf32, #tpu.memory_space<vmem_shared>> -> memref<10112x128xf32, #tpu.memory_space<vmem_shared>>
      tpu.enqueue_indirect_dma source(%dma_start3A_297 : memref<128x128xf32, #tpu.memory_space<vmem>>) target(%dma_start3A_303 : memref<10112x128xf32, #tpu.memory_space<vmem_shared>>) offsets(%dma_start3A_300 : memref<128xi32, #tpu.memory_space<vmem>>) semaphore(%arg15 : memref<!tpu.dma_semaphore, #tpu.memory_space<semaphore_mem>>) {add = true}
      %add3A_304 = arith.constant 3 : i32
      %add3A_305 = arith.addi %mul3A_138, %add3A_304 : i32
      %ge3A_306 = arith.constant 1 : i32
      %ge3A_307 = arith.cmpi sge, %add3A_305, %ge3A_306 : i32
      %add3A_308 = arith.constant 1 : i32
      %add3A_309 = arith.addi %add3A_305, %add3A_308 : i32
      %lt3A_310 = arith.constant 80 : i32
      %lt3A_311 = arith.cmpi slt, %add3A_309, %lt3A_310 : i32
      %and3A_312 = arith.andi %ge3A_307, %lt3A_311 : i1
      %convert_element_type3A_313 = arith.extui %and3A_312 : i1 to i32
      %cond3A_314 = arith.constant 0 : i32
      %cond3A_315 = arith.cmpi ne, %convert_element_type3A_313, %cond3A_314 : i32
      scf.if %cond3A_315 {
        %sub3A_361 = arith.constant 1 : i32
        %sub3A_362 = arith.subi %add3A_305, %sub3A_361 : i32
        %dma_wait3A_363 = arith.constant 0 : i32
        %dma_wait3A_364 = arith.constant 2 : i32
        %dma_wait3A_365 = arith.constant 1 : i32
        %dma_wait3A_366 = arith.constant 0 : i32
        %dma_wait3A_367 = arith.constant 0 : i32
        %dma_wait3A_368 = tpu.memref_slice %arg7[%dma_wait3A_363, %dma_wait3A_366, %dma_wait3A_367] : memref<2x128x128xf32, #tpu.memory_space<vmem>> -> memref<1x128x128xf32, #tpu.memory_space<vmem>>
        %dma_wait3A_369 = tpu.memref_squeeze %dma_wait3A_368 : memref<1x128x128xf32, #tpu.memory_space<vmem>> -> memref<128x128xf32, #tpu.memory_space<vmem>>
        %dma_wait3A_370 = arith.constant 0 : i32
        %dma_wait3A_371 = tpu.memref_slice %arg6[%dma_wait3A_364, %dma_wait3A_365, %dma_wait3A_370] : memref<4x2x128xi32, #tpu.memory_space<vmem>> -> memref<1x1x128xi32, #tpu.memory_space<vmem>>
        %dma_wait3A_372 = tpu.memref_squeeze %dma_wait3A_371 : memref<1x1x128xi32, #tpu.memory_space<vmem>> -> memref<128xi32, #tpu.memory_space<vmem>>
        %dma_wait3A_373 = arith.constant 0 : i32
        %dma_wait3A_374 = arith.constant 0 : i32
        %dma_wait3A_375 = tpu.memref_slice %arg8[%dma_wait3A_373, %dma_wait3A_374] : memref<10112x128xf32, #tpu.memory_space<vmem_shared>> -> memref<10112x128xf32, #tpu.memory_space<vmem_shared>>
        tpu.wait_indirect_dma semaphore(%arg15 : memref<!tpu.dma_semaphore, #tpu.memory_space<semaphore_mem>>) src(%dma_wait3A_369 : memref<128x128xf32, #tpu.memory_space<vmem>>) dst(%dma_wait3A_375 : memref<10112x128xf32, #tpu.memory_space<vmem_shared>>)
      } else {
      }
      %ge3A_316 = arith.constant 1 : i32
      %ge3A_317 = arith.cmpi sge, %add3A_305, %ge3A_316 : i32
      %add3A_318 = arith.constant 4 : i32
      %add3A_319 = arith.addi %add3A_305, %add3A_318 : i32
      %sub3A_320 = arith.constant 1 : i32
      %sub3A_321 = arith.subi %add3A_319, %sub3A_320 : i32
      %lt3A_322 = arith.constant 80 : i32
      %lt3A_323 = arith.cmpi slt, %sub3A_321, %lt3A_322 : i32
      %and3A_324 = arith.andi %ge3A_317, %lt3A_323 : i1
      %convert_element_type3A_325 = arith.extui %and3A_324 : i1 to i32
      %cond3A_326 = arith.constant 0 : i32
      %cond3A_327 = arith.cmpi ne, %convert_element_type3A_325, %cond3A_326 : i32
      scf.if %cond3A_327 {
        %add3A_361 = arith.constant 4 : i32
        %add3A_362 = arith.addi %add3A_305, %add3A_361 : i32
        %sub3A_363 = arith.constant 1 : i32
        %sub3A_364 = arith.subi %add3A_362, %sub3A_363 : i32
        %dma_start3A_365 = arith.constant 2 : i32
        %dma_start3A_366 = arith.constant 0 : i32
        %dma_start3A_367 = arith.constant 0 : i32
        %dma_start3A_368 = tpu.memref_slice %arg6[%dma_start3A_365, %dma_start3A_366, %dma_start3A_367] : memref<4x2x128xi32, #tpu.memory_space<vmem>> -> memref<1x2x128xi32, #tpu.memory_space<vmem>>
        %dma_start3A_369 = tpu.memref_squeeze %dma_start3A_368 : memref<1x2x128xi32, #tpu.memory_space<vmem>> -> memref<2x128xi32, #tpu.memory_space<vmem>>
        %dma_start3A_370 = arith.constant 0 : i32
        %dma_start3A_371 = arith.constant 0 : i32
        %dma_start3A_372 = tpu.memref_slice %arg3[%arg0, %arg1, %sub3A_364, %dma_start3A_370, %dma_start3A_371] : memref<2x16x80x2x128xi32, #tpu.memory_space<hbm>> -> memref<1x1x1x2x128xi32, #tpu.memory_space<hbm>>
        %dma_start3A_373 = tpu.memref_squeeze %dma_start3A_372 : memref<1x1x1x2x128xi32, #tpu.memory_space<hbm>> -> memref<2x128xi32, #tpu.memory_space<hbm>>
        %dma_start3A_374 = arith.constant 0 : i32
        %dma_start3A_375 = arith.constant 0 : i32
        %dma_start3A_376 = tpu.memref_slice %arg6[%dma_start3A_365, %dma_start3A_374, %dma_start3A_375] : memref<4x2x128xi32, #tpu.memory_space<vmem>> -> memref<1x2x128xi32, #tpu.memory_space<vmem>>
        %dma_start3A_377 = tpu.memref_squeeze %dma_start3A_376 : memref<1x2x128xi32, #tpu.memory_space<vmem>> -> memref<2x128xi32, #tpu.memory_space<vmem>>
        %dma_start3A_378 = arith.constant 0 : i32
        %dma_start3A_379 = arith.constant 0 : i32
        %dma_start3A_380 = tpu.memref_slice %arg3[%arg0, %arg1, %sub3A_364, %dma_start3A_378, %dma_start3A_379] : memref<2x16x80x2x128xi32, #tpu.memory_space<hbm>> -> memref<1x1x1x2x128xi32, #tpu.memory_space<hbm>>
        %dma_start3A_381 = tpu.memref_squeeze %dma_start3A_380 : memref<1x1x1x2x128xi32, #tpu.memory_space<hbm>> -> memref<2x128xi32, #tpu.memory_space<hbm>>
        tpu.enqueue_dma source(%dma_start3A_381 : memref<2x128xi32, #tpu.memory_space<hbm>>) target(%dma_start3A_377 : memref<2x128xi32, #tpu.memory_space<vmem>>) target_semaphore(%arg11 : memref<!tpu.dma_semaphore, #tpu.memory_space<semaphore_mem>>)
      } else {
      }
      %add3A_328 = arith.constant 1 : i32
      %add3A_329 = arith.addi %add3A_305, %add3A_328 : i32
      %lt3A_330 = arith.constant 80 : i32
      %lt3A_331 = arith.cmpi slt, %add3A_329, %lt3A_330 : i32
      %convert_element_type3A_332 = arith.extui %lt3A_331 : i1 to i32
      %cond3A_333 = arith.constant 0 : i32
      %cond3A_334 = arith.cmpi ne, %convert_element_type3A_332, %cond3A_333 : i32
      scf.if %cond3A_334 {
        %add3A_361 = arith.constant 1 : i32
        %add3A_362 = arith.addi %add3A_305, %add3A_361 : i32
        %dma_wait3A_363 = arith.constant 0 : i32
        %dma_wait3A_364 = arith.constant 0 : i32
        %dma_wait3A_365 = arith.constant 0 : i32
        %dma_wait3A_366 = tpu.memref_slice %arg6[%dma_wait3A_363, %dma_wait3A_364, %dma_wait3A_365] : memref<4x2x128xi32, #tpu.memory_space<vmem>> -> memref<1x2x128xi32, #tpu.memory_space<vmem>>
        %dma_wait3A_367 = tpu.memref_squeeze %dma_wait3A_366 : memref<1x2x128xi32, #tpu.memory_space<vmem>> -> memref<2x128xi32, #tpu.memory_space<vmem>>
        %dma_wait3A_368 = arith.constant 0 : i32
        %dma_wait3A_369 = arith.constant 0 : i32
        %dma_wait3A_370 = tpu.memref_slice %arg3[%arg0, %arg1, %add3A_362, %dma_wait3A_368, %dma_wait3A_369] : memref<2x16x80x2x128xi32, #tpu.memory_space<hbm>> -> memref<1x1x1x2x128xi32, #tpu.memory_space<hbm>>
        %dma_wait3A_371 = tpu.memref_squeeze %dma_wait3A_370 : memref<1x1x1x2x128xi32, #tpu.memory_space<hbm>> -> memref<2x128xi32, #tpu.memory_space<hbm>>
        %dma_wait3A_372 = arith.constant 0 : i32
        %dma_wait3A_373 = arith.constant 0 : i32
        %dma_wait3A_374 = tpu.memref_slice %arg6[%dma_wait3A_363, %dma_wait3A_372, %dma_wait3A_373] : memref<4x2x128xi32, #tpu.memory_space<vmem>> -> memref<1x2x128xi32, #tpu.memory_space<vmem>>
        %dma_wait3A_375 = tpu.memref_squeeze %dma_wait3A_374 : memref<1x2x128xi32, #tpu.memory_space<vmem>> -> memref<2x128xi32, #tpu.memory_space<vmem>>
        %dma_wait3A_376 = arith.constant 0 : i32
        %dma_wait3A_377 = arith.constant 0 : i32
        %dma_wait3A_378 = tpu.memref_slice %arg3[%arg0, %arg1, %add3A_362, %dma_wait3A_376, %dma_wait3A_377] : memref<2x16x80x2x128xi32, #tpu.memory_space<hbm>> -> memref<1x1x1x2x128xi32, #tpu.memory_space<hbm>>
        %dma_wait3A_379 = tpu.memref_squeeze %dma_wait3A_378 : memref<1x1x1x2x128xi32, #tpu.memory_space<hbm>> -> memref<2x128xi32, #tpu.memory_space<hbm>>
        tpu.wait_dma2 semaphore(%arg9 : memref<!tpu.dma_semaphore, #tpu.memory_space<semaphore_mem>>) src(%dma_wait3A_379 : memref<2x128xi32, #tpu.memory_space<hbm>>) dst(%dma_wait3A_375 : memref<2x128xi32, #tpu.memory_space<vmem>>)
        %add3A_380 = arith.constant 1 : i32
        %add3A_381 = arith.addi %add3A_305, %add3A_380 : i32
        %dma_start3A_382 = arith.constant 0 : i32
        %dma_start3A_383 = arith.constant 0 : i32
        %dma_start3A_384 = arith.constant 0 : i32
        %dma_start3A_385 = arith.constant 0 : i32
        %dma_start3A_386 = arith.constant 0 : i32
        %dma_start3A_387 = tpu.memref_slice %arg7[%dma_start3A_384, %dma_start3A_385, %dma_start3A_386] : memref<2x128x128xf32, #tpu.memory_space<vmem>> -> memref<1x128x128xf32, #tpu.memory_space<vmem>>
        %dma_start3A_388 = tpu.memref_squeeze %dma_start3A_387 : memref<1x128x128xf32, #tpu.memory_space<vmem>> -> memref<128x128xf32, #tpu.memory_space<vmem>>
        %dma_start3A_389 = arith.constant 0 : i32
        %dma_start3A_390 = tpu.memref_slice %arg6[%dma_start3A_382, %dma_start3A_383, %dma_start3A_389] : memref<4x2x128xi32, #tpu.memory_space<vmem>> -> memref<1x1x128xi32, #tpu.memory_space<vmem>>
        %dma_start3A_391 = tpu.memref_squeeze %dma_start3A_390 : memref<1x1x128xi32, #tpu.memory_space<vmem>> -> memref<128xi32, #tpu.memory_space<vmem>>
        %dma_start3A_392 = arith.constant 0 : i32
        %dma_start3A_393 = arith.constant 0 : i32
        %dma_start3A_394 = tpu.memref_slice %arg2[%dma_start3A_392, %dma_start3A_393] : memref<10000x128xf32, #tpu.memory_space<hbm>> -> memref<10000x128xf32, #tpu.memory_space<hbm>>
        tpu.enqueue_indirect_dma source(%dma_start3A_394 : memref<10000x128xf32, #tpu.memory_space<hbm>>) target(%dma_start3A_388 : memref<128x128xf32, #tpu.memory_space<vmem>>) offsets(%dma_start3A_391 : memref<128xi32, #tpu.memory_space<vmem>>) semaphore(%arg13 : memref<!tpu.dma_semaphore, #tpu.memory_space<semaphore_mem>>)
      } else {
      }
      %dma_wait3A_335 = arith.constant 3 : i32
      %dma_wait3A_336 = arith.constant 0 : i32
      %dma_wait3A_337 = arith.constant 1 : i32
      %dma_wait3A_338 = arith.constant 0 : i32
      %dma_wait3A_339 = arith.constant 0 : i32
      %dma_wait3A_340 = tpu.memref_slice %arg7[%dma_wait3A_337, %dma_wait3A_338, %dma_wait3A_339] : memref<2x128x128xf32, #tpu.memory_space<vmem>> -> memref<1x128x128xf32, #tpu.memory_space<vmem>>
      %dma_wait3A_341 = tpu.memref_squeeze %dma_wait3A_340 : memref<1x128x128xf32, #tpu.memory_space<vmem>> -> memref<128x128xf32, #tpu.memory_space<vmem>>
      %dma_wait3A_342 = arith.constant 0 : i32
      %dma_wait3A_343 = tpu.memref_slice %arg6[%dma_wait3A_335, %dma_wait3A_336, %dma_wait3A_342] : memref<4x2x128xi32, #tpu.memory_space<vmem>> -> memref<1x1x128xi32, #tpu.memory_space<vmem>>
      %dma_wait3A_344 = tpu.memref_squeeze %dma_wait3A_343 : memref<1x1x128xi32, #tpu.memory_space<vmem>> -> memref<128xi32, #tpu.memory_space<vmem>>
      %dma_wait3A_345 = arith.constant 0 : i32
      %dma_wait3A_346 = arith.constant 0 : i32
      %dma_wait3A_347 = tpu.memref_slice %arg2[%dma_wait3A_345, %dma_wait3A_346] : memref<10000x128xf32, #tpu.memory_space<hbm>> -> memref<10000x128xf32, #tpu.memory_space<hbm>>
      tpu.wait_indirect_dma semaphore(%arg14 : memref<!tpu.dma_semaphore, #tpu.memory_space<semaphore_mem>>) src(%dma_wait3A_347 : memref<10000x128xf32, #tpu.memory_space<hbm>>) dst(%dma_wait3A_341 : memref<128x128xf32, #tpu.memory_space<vmem>>)
      %dma_start3A_348 = arith.constant 1 : i32
      %dma_start3A_349 = arith.constant 3 : i32
      %dma_start3A_350 = arith.constant 1 : i32
      %dma_start3A_351 = arith.constant 0 : i32
      %dma_start3A_352 = arith.constant 0 : i32
      %dma_start3A_353 = tpu.memref_slice %arg7[%dma_start3A_348, %dma_start3A_351, %dma_start3A_352] : memref<2x128x128xf32, #tpu.memory_space<vmem>> -> memref<1x128x128xf32, #tpu.memory_space<vmem>>
      %dma_start3A_354 = tpu.memref_squeeze %dma_start3A_353 : memref<1x128x128xf32, #tpu.memory_space<vmem>> -> memref<128x128xf32, #tpu.memory_space<vmem>>
      %dma_start3A_355 = arith.constant 0 : i32
      %dma_start3A_356 = tpu.memref_slice %arg6[%dma_start3A_349, %dma_start3A_350, %dma_start3A_355] : memref<4x2x128xi32, #tpu.memory_space<vmem>> -> memref<1x1x128xi32, #tpu.memory_space<vmem>>
      %dma_start3A_357 = tpu.memref_squeeze %dma_start3A_356 : memref<1x1x128xi32, #tpu.memory_space<vmem>> -> memref<128xi32, #tpu.memory_space<vmem>>
      %dma_start3A_358 = arith.constant 0 : i32
      %dma_start3A_359 = arith.constant 0 : i32
      %dma_start3A_360 = tpu.memref_slice %arg8[%dma_start3A_358, %dma_start3A_359] : memref<10112x128xf32, #tpu.memory_space<vmem_shared>> -> memref<10112x128xf32, #tpu.memory_space<vmem_shared>>
      tpu.enqueue_indirect_dma source(%dma_start3A_354 : memref<128x128xf32, #tpu.memory_space<vmem>>) target(%dma_start3A_360 : memref<10112x128xf32, #tpu.memory_space<vmem_shared>>) offsets(%dma_start3A_357 : memref<128xi32, #tpu.memory_space<vmem>>) semaphore(%arg16 : memref<!tpu.dma_semaphore, #tpu.memory_space<semaphore_mem>>) {add = true}
    }
    %scan3A_105 = arith.constant 20 : i32
    %dma_wait3A_106 = arith.constant 0 : i32
    %dma_wait3A_107 = arith.constant 2 : i32
    %dma_wait3A_108 = arith.constant 1 : i32
    %dma_wait3A_109 = arith.constant 0 : i32
    %dma_wait3A_110 = arith.constant 0 : i32
    %dma_wait3A_111 = tpu.memref_slice %arg7[%dma_wait3A_106, %dma_wait3A_109, %dma_wait3A_110] : memref<2x128x128xf32, #tpu.memory_space<vmem>> -> memref<1x128x128xf32, #tpu.memory_space<vmem>>
    %dma_wait3A_112 = tpu.memref_squeeze %dma_wait3A_111 : memref<1x128x128xf32, #tpu.memory_space<vmem>> -> memref<128x128xf32, #tpu.memory_space<vmem>>
    %dma_wait3A_113 = arith.constant 0 : i32
    %dma_wait3A_114 = tpu.memref_slice %arg6[%dma_wait3A_107, %dma_wait3A_108, %dma_wait3A_113] : memref<4x2x128xi32, #tpu.memory_space<vmem>> -> memref<1x1x128xi32, #tpu.memory_space<vmem>>
    %dma_wait3A_115 = tpu.memref_squeeze %dma_wait3A_114 : memref<1x1x128xi32, #tpu.memory_space<vmem>> -> memref<128xi32, #tpu.memory_space<vmem>>
    %dma_wait3A_116 = arith.constant 0 : i32
    %dma_wait3A_117 = arith.constant 0 : i32
    %dma_wait3A_118 = tpu.memref_slice %arg8[%dma_wait3A_116, %dma_wait3A_117] : memref<10112x128xf32, #tpu.memory_space<vmem_shared>> -> memref<10112x128xf32, #tpu.memory_space<vmem_shared>>
    tpu.wait_indirect_dma semaphore(%arg15 : memref<!tpu.dma_semaphore, #tpu.memory_space<semaphore_mem>>) src(%dma_wait3A_112 : memref<128x128xf32, #tpu.memory_space<vmem>>) dst(%dma_wait3A_118 : memref<10112x128xf32, #tpu.memory_space<vmem_shared>>)
    %dma_wait3A_119 = arith.constant 1 : i32
    %dma_wait3A_120 = arith.constant 3 : i32
    %dma_wait3A_121 = arith.constant 1 : i32
    %dma_wait3A_122 = arith.constant 0 : i32
    %dma_wait3A_123 = arith.constant 0 : i32
    %dma_wait3A_124 = tpu.memref_slice %arg7[%dma_wait3A_119, %dma_wait3A_122, %dma_wait3A_123] : memref<2x128x128xf32, #tpu.memory_space<vmem>> -> memref<1x128x128xf32, #tpu.memory_space<vmem>>
    %dma_wait3A_125 = tpu.memref_squeeze %dma_wait3A_124 : memref<1x128x128xf32, #tpu.memory_space<vmem>> -> memref<128x128xf32, #tpu.memory_space<vmem>>
    %dma_wait3A_126 = arith.constant 0 : i32
    %dma_wait3A_127 = tpu.memref_slice %arg6[%dma_wait3A_120, %dma_wait3A_121, %dma_wait3A_126] : memref<4x2x128xi32, #tpu.memory_space<vmem>> -> memref<1x1x128xi32, #tpu.memory_space<vmem>>
    %dma_wait3A_128 = tpu.memref_squeeze %dma_wait3A_127 : memref<1x1x128xi32, #tpu.memory_space<vmem>> -> memref<128xi32, #tpu.memory_space<vmem>>
    %dma_wait3A_129 = arith.constant 0 : i32
    %dma_wait3A_130 = arith.constant 0 : i32
    %dma_wait3A_131 = tpu.memref_slice %arg8[%dma_wait3A_129, %dma_wait3A_130] : memref<10112x128xf32, #tpu.memory_space<vmem_shared>> -> memref<10112x128xf32, #tpu.memory_space<vmem_shared>>
    tpu.wait_indirect_dma semaphore(%arg16 : memref<!tpu.dma_semaphore, #tpu.memory_space<semaphore_mem>>) src(%dma_wait3A_125 : memref<128x128xf32, #tpu.memory_space<vmem>>) dst(%dma_wait3A_131 : memref<10112x128xf32, #tpu.memory_space<vmem_shared>>)
    %barrier3A_132 = arith.constant 0 : index
    tpu.barrier barrier_id(%barrier3A_132)
    "tpu.region"() ({
      %run_scoped3A = tpu.sem_alloc : memref<!tpu.dma_semaphore, #tpu.memory_space<semaphore_mem>>
      %dma_start3A_133 = arith.constant 0 : i32
      %dma_start3A_134 = tpu.memref_slice %arg5[%arg0, %mul3A_0, %dma_start3A_133] : memref<2x10112x128xf32, #tpu.memory_space<hbm>> -> memref<1x632x128xf32, #tpu.memory_space<hbm>>
      %dma_start3A_135 = tpu.memref_squeeze %dma_start3A_134 : memref<1x632x128xf32, #tpu.memory_space<hbm>> -> memref<632x128xf32, #tpu.memory_space<hbm>>
      %dma_start3A_136 = arith.constant 0 : i32
      %dma_start3A_137 = tpu.memref_slice %arg8[%mul3A_0, %dma_start3A_136] : memref<10112x128xf32, #tpu.memory_space<vmem_shared>> -> memref<632x128xf32, #tpu.memory_space<vmem_shared>>
      tpu.enqueue_dma source(%dma_start3A_137 : memref<632x128xf32, #tpu.memory_space<vmem_shared>>) target(%dma_start3A_135 : memref<632x128xf32, #tpu.memory_space<hbm>>) target_semaphore(%run_scoped3A : memref<!tpu.dma_semaphore, #tpu.memory_space<semaphore_mem>>)
      %dma_wait3A_138 = arith.constant 0 : i32
      %dma_wait3A_139 = tpu.memref_slice %arg5[%arg0, %mul3A_0, %dma_wait3A_138] : memref<2x10112x128xf32, #tpu.memory_space<hbm>> -> memref<1x632x128xf32, #tpu.memory_space<hbm>>
      %dma_wait3A_140 = tpu.memref_squeeze %dma_wait3A_139 : memref<1x632x128xf32, #tpu.memory_space<hbm>> -> memref<632x128xf32, #tpu.memory_space<hbm>>
      %dma_wait3A_141 = arith.constant 0 : i32
      %dma_wait3A_142 = tpu.memref_slice %arg8[%mul3A_0, %dma_wait3A_141] : memref<10112x128xf32, #tpu.memory_space<vmem_shared>> -> memref<632x128xf32, #tpu.memory_space<vmem_shared>>
      tpu.wait_dma2 semaphore(%run_scoped3A : memref<!tpu.dma_semaphore, #tpu.memory_space<semaphore_mem>>) src(%dma_wait3A_142 : memref<632x128xf32, #tpu.memory_space<vmem_shared>>) dst(%dma_wait3A_140 : memref<632x128xf32, #tpu.memory_space<hbm>>)
      tpu.yield
    }) : () -> ()
    return
  }
}

module attributes {stable_mosaic.version = 14 : i64} {
  func.func @body(%arg0: i32, %arg1: memref<2x1000x128xf32, #tpu.memory_space<vmem>>, %arg2: memref<1000x128xf32, #tpu.memory_space<vmem>>) attributes {dimension_semantics = [#tpu.dimension_semantics<arbitrary>], iteration_bounds = array<i64: 10>, scalar_prefetch = 0 : i64, scratch_operands = 0 : i64, tpu.core_type = #tpu.core_type<tc>, window_params = [{transform_indices = @transform_0, window_bounds = array<i64: 2, 1000, 128>}, {transform_indices = @transform_1, window_bounds = array<i64: 1000, 128>}]} {
    %get3A = arith.constant 0 : index
    %get3A_0 = arith.constant 0 : index
    %get3A_1 = arith.constant 0 : index
    %get3A_2 = vector.load %arg1[%get3A, %get3A_0, %get3A_1] : memref<2x1000x128xf32, #tpu.memory_space<vmem>>, vector<1x1000x128xf32>
    %get3A_3 = vector.shape_cast %get3A_2 : vector<1x1000x128xf32> to vector<1000x128xf32>
    %get3A_4 = arith.constant 1 : index
    %get3A_5 = arith.constant 0 : index
    %get3A_6 = arith.constant 0 : index
    %get3A_7 = vector.load %arg1[%get3A_4, %get3A_5, %get3A_6] : memref<2x1000x128xf32, #tpu.memory_space<vmem>>, vector<1x1000x128xf32>
    %get3A_8 = vector.shape_cast %get3A_7 : vector<1x1000x128xf32> to vector<1000x128xf32>
    %add3A = arith.addf %get3A_3, %get3A_8 : vector<1000x128xf32>
    %swap3A = arith.constant 0 : index
    %swap3A_9 = arith.constant 0 : index
    %swap3A_10 = vector.load %arg2[%swap3A, %swap3A_9] : memref<1000x128xf32, #tpu.memory_space<vmem>>, vector<1000x128xf32>
    tpu.vector_store %arg2[%swap3A, %swap3A_9], %add3A {strides = array<i32>} : memref<1000x128xf32, #tpu.memory_space<vmem>>, vector<1000x128xf32>,
    return
  }
  func.func @transform_0(%arg0: i32) -> (i32, i32, i32) {
    %c0_i32 = arith.constant 0 : i32
    %c0_i32_0 = arith.constant 0 : i32
    %c0_i32_1 = arith.constant 0 : i32
    return %c0_i32, %arg0, %c0_i32_0 : i32, i32, i32
  }
  func.func @transform_1(%arg0: i32) -> (i32, i32) {
    %c0_i32 = arith.constant 0 : i32
    %c0_i32_0 = arith.constant 0 : i32
    return %arg0, %c0_i32 : i32, i32
  }
}

</mosaic_0001>

<sc_bundles>
// kernel: kernel.4.cloned.1.call-start
scs
__scs_entry_jumppad:
0x0: {  	(pc) =	sbr.rel $0x88, $3  }
0x1: {  	(tag) =	ssettag $0x0;
	lr =	simm.s32 $0x1  }
0x2: {  	[smem:$0x3F9F] =	sst lr;
	_ =	strace $0xD0000000  }
0x3: {  	_ = 	snop  }
0x4: {  	_ = 	snop  }
0x5: {  	_ = 	snop  }
0x6: {  	_ = 	snop  }
0x7: {  	_ = 	snop  }
__scs_overlays_trampoline_lowered:
0x8: {  	[smem:$0x3FAE] =	sst s0  }
0x9: {  	[smem:$0x3FAF] =	sst s1  }
0xa: {  	[smem:$0x3FB0] =	sst s2  }
0xb: {  	[smem:$0x3FB1] =	sst s3  }
0xc: {  	[smem:$0x3FB2] =	sst s4  }
0xd: {  	[smem:$0x3FB3] =	sst s5  }
0xe: {  	[smem:$0x3FB4] =	sst s6  }
0xf: {  	[smem:$0x3FB5] =	sst s7  }
0x10: {  	[smem:$0x3FB6] =	sst s8  }
0x11: {  	[smem:$0x3FB7] =	sst s9;
	s0 =	simm.s32 @!p0 $0x0  }
0x12: {  	s1 =	sld [smem:$0x3F9D];
	s0 =	simm.s32 @p0 $0x1  }
0x13: {  	[smem:$0x3FB8] =	sst s0;
	s0 =	simm.s32 @!p1 $0x0  }
0x14: {  	s2 =	sld [smem:$0x3F9C];
	s0 =	simm.s32 @p1 $0x1  }
0x15: {  	[smem:$0x3FB9] =	sst s0;
	s0 =	simm.s32 @!p2 $0x0  }
0x16: {  	s3 =	sld [smem:$0x3FDB];
	s0 =	simm.s32 @p2 $0x1  }
0x17: {  	s4 =	simm.s32 $0x1BF5;
	[smem:$0x3FBB] =	sst s0  }
0x18: {  	s0 =	sld [smem:$0x3F9E];
	_ =	swait.ge [sflag:s4], $0x0  }
0x19: {  	s7 =	sld [smem:$0x3F9F]  }
0x1a: {  	s8 =	sadd.s32 $0xFFFFE003, lr  }
0x1b: {  	s9 =	sadd.s32 $0xFFFFFEF7, lr;
	s5 =	simm.s32 $0xFFFFFFFF;
	p2 =	slt.u32 s8, $0xFFFFF086  }
0x1c: {  	p1 =	slt.u32 s9, $0xF7A;
	s5 =	simm.s32 @!p2 $0x0  }
0x1d: {  	s5 =	simm.s32 @p1 $0x1;
	p0 =	seq.s32 s7, s2  }
0x1e: {  	s7 =	smul.u32 @!p0 $0xF7A, s2;
	p2 =	seq.s32 @!p0 s5, $0x0  }
0x1f: {  	s9 =	smul.u32 $0xF7A, s1;
	s8 =	simm.s32 @!p0 $0x1BF5;
	p2 =	por !p2, p0  }
0x20: {  	[sflag:s8] =	ssyncset.s32 @!p0 $0xFFFFF086;
	s6 =	sadd.s32 @!p0 s3, s7;
	s7 =	simm.s32 @!p0 $0x108  }
0x21: {  	s3 =	sadd.s32 s3, s9;
	s6 =	sadd.s32 @!p0 $0x88, s6;
	s7 =	simm.s32 @p2 $0x1082  }
0x22: {  	[simem:s7], [sflag:s8] =	dma.local @!p0 [hbm:s6], $0xF7A  }
0x23: {  	s9 =	sor.u32 $0xD0000000, s2;
	s6 =	simm.s32 $0x108;
	_ =	swait.ge @!p0 [sflag:s8], $0x0  }
0x24: {  	s3 =	sadd.s32 $0x88, s3;
	s6 =	simm.s32 @!p1 $0x1082;
	[sflag:s4] =	ssyncset.s32 $0xFFFFF086  }
0x25: {  	[simem:s6], [sflag:s4] =	dma.local [hbm:s3], $0xF7A  }
0x26: {  	[smem:$0x3F9F] =	sst s1;
	(tag) =	ssettag s2;
	_ =	strace s9  }
0x27: {  	s1 =	sld [smem:$0x3FAF]  }
0x28: {  	s2 =	sld [smem:$0x3FB0]  }
0x29: {  	s4 =	sld [smem:$0x3FB2]  }
0x2a: {  	p0 =	seq.s32 s5, $0x0;
	s5 =	sld [smem:$0x3FB3]  }
0x2b: {  	s6 =	sld [smem:$0x3FB4]  }
0x2c: {  	s7 =	sld [smem:$0x3FB5]  }
0x2d: {  	s3 =	simm.s32 $0x108;
	s8 =	sld [smem:$0x3FB6]  }
0x2e: {  	s3 =	simm.s32 @!p0 $0x1082;
	s9 =	sld [smem:$0x3FB7]  }
0x2f: {  	lr =	sadd.s32 s0, s3;
	s0 =	sld [smem:$0x3FAE]  }
0x30: {  	s3 =	sld [smem:$0x3FB1]  }
0x31: {  	[smem:$0x3FBA] =	sst s10  }
0x32: {  	s10 =	sld [smem:$0x3FB8];
	_ =	sdelay $0x3  }
0x33: {  	p0 =	seq.s32 s10, $0x1;
	s10 =	sld [smem:$0x3FBA];
	_ =	sdelay $0x3  }
0x34: {  	[smem:$0x3FBA] =	sst s10  }
0x35: {  	s10 =	sld [smem:$0x3FB9];
	_ =	sdelay $0x3  }
0x36: {  	p1 =	seq.s32 s10, $0x1;
	s10 =	sld [smem:$0x3FBA];
	_ =	sdelay $0x3  }
0x37: {  	[smem:$0x3FBA] =	sst s10  }
0x38: {  	s10 =	sld [smem:$0x3FBB]  }
0x39: {  	_ = 	snop;
	(pc) =	sbr.ind lr, $3  }
0x3a: {  	_ = 	snop  }
0x3b: {  	_ = 	snop  }
0x3c: {  	p2 =	seq.s32 s10, $0x1;
	s10 =	sld [smem:$0x3FBA]  }
0x3d: {  	_ =	shalt  }
0x3e: {  	_ =	shalt  }
0x3f: {  	_ =	shalt  }
0x40: {  	_ =	shalt  }
0x41: {  	_ =	shalt  }
0x42: {  	_ =	shalt  }
0x43: {  	_ =	shalt  }
0x44: {  	_ =	shalt  }
0x45: {  	_ =	shalt  }
0x46: {  	_ =	shalt  }
0x47: {  	_ =	shalt  }
0x48: {  	_ =	shalt  }
0x49: {  	_ =	shalt  }
0x4a: {  	_ =	shalt  }
0x4b: {  	_ =	shalt  }
0x4c: {  	_ =	shalt  }
0x4d: {  	_ =	shalt  }
0x4e: {  	_ =	shalt  }
0x4f: {  	_ =	shalt  }
0x50: {  	_ =	shalt  }
0x51: {  	_ =	shalt  }
0x52: {  	_ =	shalt  }
0x53: {  	_ =	shalt  }
0x54: {  	_ =	shalt  }
0x55: {  	_ =	shalt  }
0x56: {  	_ =	shalt  }
0x57: {  	_ =	shalt  }
0x58: {  	_ =	shalt  }
0x59: {  	_ =	shalt  }
0x5a: {  	_ =	shalt  }
0x5b: {  	_ =	shalt  }
0x5c: {  	_ =	shalt  }
0x5d: {  	_ =	shalt  }
0x5e: {  	_ =	shalt  }
0x5f: {  	_ =	shalt  }
0x60: {  	_ =	shalt  }
0x61: {  	_ =	shalt  }
0x62: {  	_ =	shalt  }
0x63: {  	_ =	shalt  }
0x64: {  	_ =	shalt  }
0x65: {  	_ =	shalt  }
0x66: {  	_ =	shalt  }
0x67: {  	_ =	shalt  }
0x68: {  	_ =	shalt  }
0x69: {  	_ =	shalt  }
0x6a: {  	_ =	shalt  }
0x6b: {  	_ =	shalt  }
0x6c: {  	_ =	shalt  }
0x6d: {  	_ =	shalt  }
0x6e: {  	_ =	shalt  }
0x6f: {  	_ =	shalt  }
0x70: {  	_ =	shalt  }
0x71: {  	_ =	shalt  }
0x72: {  	_ =	shalt  }
0x73: {  	_ =	shalt  }
0x74: {  	_ =	shalt  }
0x75: {  	_ =	shalt  }
0x76: {  	_ =	shalt  }
0x77: {  	_ =	shalt  }
0x78: {  	_ =	shalt  }
0x79: {  	_ =	shalt  }
0x7a: {  	_ =	shalt  }
0x7b: {  	_ =	shalt  }
0x7c: {  	_ =	shalt  }
0x7d: {  	_ =	shalt  }
0x7e: {  	_ =	shalt  }
0x7f: {  	_ =	shalt  }
0x80: {  	_ =	shalt  }
0x81: {  	_ =	shalt  }
0x82: {  	_ =	shalt  }
0x83: {  	_ =	shalt  }
0x84: {  	_ =	shalt  }
0x85: {  	_ =	shalt  }
0x86: {  	_ =	shalt  }
0x87: {  	_ =	shalt  }
.Lfunc_end0:
.L_simem_size_0:
called_computation_lowered:
.L_overlay_start_0:
0x88: {  	s2 =	sld [smem:$0x3FD9]  }
0x89: {  	s3 =	sld [smem:$0x3FFE];
	_ =	sdelay $0x1  }
0x8a: {  	s1 =	srdreg.scid  }
0x8b: {  	s0 =	sand.u32 $0x1, s1  }
0x8c: {  	s17 =	sshll.u32 s0, $0xA;
	s2 =	sadd.s32 s3, s2  }
0x8d: {  	s2 =	sadd.s32 s2, s17  }
0x8e: {  	[smem:$0x3FC6] =	sst s2  }
0x8f: {  	_ = 	snop  }
0x90: {  	s2 =	sld [smem:$0x3FC9]  }
0x91: {  	s18 =	sld [smem:$0x3FD0];
	(tm) =	ssettm $0x1  }
0x92: {  	s4 =	sld [smem:$0x3FFB];
	_ =	sdelay $0x3  }
0x93: {  	_ =	strace s4  }
0x94: {  	s4 =	sld [smem:$0x3FFC];
	_ =	sdelay $0x3  }
0x95: {  	_ =	strace s4  }
0x96: {  	s4 =	sld [smem:$0x3FFD];
	_ =	sdelay $0x3  }
0x97: {  	_ =	strace s4  }
0x98: {  	_ =	strace $0x8FFFFFFF  }
0x99: {  	s19 =	sld [smem:$0x3FDB];
	_ =	sdelay $0x1  }
0x9a: {  	s5 =	simm.s32 $_scs_section_size  }
0x9b: {  	s6 =	simm.s32 $_size__tile_overlayer_lowered;
	s7 =	simm.s32 $_tile_overlayer_lowered  }
0x9c: {  	s22 =	simm.s32 $0x1BFF;
	s21 =	sshll.u32 s7, $0x1;
	s4 =	sadd.s32 s5, s19  }
0x9d: {  	s8 =	simm.s32 $0x0;
	s20 =	sshll.u32 s6, $0x1;
	s6 =	sadd.s32 s21, s4  }
0x9e: {  	[timem:s8], [sflag:s22] =	dma.local [hbm:s6], s20  }
0x9f: {  	_ =	swait.ge [sflag:s22], s20  }
0xa0: {  	s5 =	ssub.s32 $0x0, s20;
	[sflag:s22] =	ssyncset.done $0x0  }
0xa1: {  	[sflag:s22] =	ssyncadd.s32 s5;
	_ =	sdelay $0x1  }
0xa2: {  	s23 =	simm.s32 $0x1B8B  }
0xa3: {  	_ =	swait.ge [sflag:s23], $0x1  }
0xa4: {  	[sflag:s23] =	ssyncset.done $0x0  }
0xa5: {  	s25 =	simm.s32 $0x1B8E;
	s24 =	sld [smem:$0x3FFE];
	[sflag:s23] =	ssyncadd.s32 $0xFFFFFFFF  }
0xa6: {  	s26 =	simm.s32 $execute0_lowered;
	[smem:$0x3FD2] =	sst s25  }
0xa7: {  	s6 =	sshll.u32 s26, $0x1;
	_ =	strace $0x80000046;
	[dreg:$0x1] =	wrdreg $0xFFFFFFFF  }
0xa8: {  	s28 =	simm.s32 $_size_execute0_lowered;
	s4 =	sadd.s32 s4, s6;
	[dreg:$0x0] =	wrdreg $0x0  }
0xa9: {  	s6 =	sshll.u32 s28, $0x1;
	[dreg:$0x2] =	wrdreg s4  }
0xaa: {  	[dreg:$0x3] =	wrdreg s6  }
0xab: {  	[dreg:$0x4] =	wrdreg $0xC0  }
0xac: {  	_ =	task [dreg:s8], $0x5FFFF  }
0xad: {  	[dreg:$0x1] =	wrdreg $0xFFFFFFFF  }
0xae: {  	[dreg:$0x0] =	wrdreg $0x60  }
0xaf: {  	[dreg:$0x2] =	wrdreg s2  }
0xb0: {  	[dreg:$0x3] =	wrdreg s18  }
0xb1: {  	[dreg:$0x4] =	wrdreg s24  }
0xb2: {  	[dreg:$0x5] =	wrdreg $0x84000  }
0xb3: {  	[dreg:$0x6] =	wrdreg $0x9  }
0xb4: {  	_ =	task.clear_ibuf [dreg:s8], $0x7FFFF;
	_ =	strace $0x90000046  }
0xb5: {  	s29 =	simm.s32 $0x9;
	_ =	strace $0x80000048  }
0xb6: {  	_ =	swait.ge [sflag:s29], $0x1  }
0xb7: {  	[sflag:s29] =	ssyncadd.s32 $0xFFFFFFFF  }
0xb8: {  	_ =	strace $0x90000048  }
0xb9: {  	_ =	sfence  }
0xba: {  	s30 =	sld [smem:$0x0];
	_ =	sdelay $0x2  }
0xbb: {  	s31 =	sshll.u32 s1, $0xD;
	s1 =	sshrl.u32 s1, $0x2  }
0xbc: {  	s3 =	sand.u32 $0x4000, s31;
	s1 =	sadd.s32 s1, s30  }
0xbd: {  	s0 =	sor.u32 s3, s0;
	s1 =	sshll.u32 s1, $0x11  }
0xbe: {  	s0 =	sor.u32 s1, s0  }
0xbf: {  	s0 =	sadd.s32 $0x8F2B, s0  }
0xc0: {  	[sflag:s0] =	ssyncadd.remote.s32 $0x1  }
0xc1: {  	_ =	sfence.sel $0xFFFF  }
0xc2: {  	[dreg:$0x0] =	wrdreg $0xFFFFFFFF;
	(pc) =	sbr.abs _section_cstart, $3  }
0xc3: {  	[dreg:$0x1] =	wrdreg $0xFFFFFFFF  }
0xc4: {  	_ =	task.clear_ibuf [dreg:s8], $0x2FFFF;
	_ =	strace $0x9FFFFFFF  }
0xc5: {  	(tm) =	ssettm $0x7FFFFFFF  }
tec
execute0_lowered:
.L_overlay_start_1:
0x0: {  	(tag) =	ssettag $0x1  }
0x1: {  	s0 =	rddreg [dreg:$0x0]  }
0x2: {  	s1 =	rddreg [dreg:$0x1]  }
0x3: {  	s10 =	rddreg [dreg:$0x2]  }
0x4: {  	s2 =	srdreg.scid;
	s4 =	rddreg [dreg:$0x3]  }
0x5: {  	s3 =	stileid.u32;
	s5 =	simm.s32 $0x0;
	s30 =	simm.s32 $0x180  }
0x6: {  	s31 =	simm.s32 $0x380;
	s28 =	simm.s32 $0x8;
	s7 =	smul.u32 $0x13C00, s3  }
0x7: {  	s29 =	simm.s32 $0x0;
	s2 =	sand.u32 $0x1, s2;
	s16 =	smul.u32 $0x5000, s3  }
0x8: {  	[smem:$0x7FF] =	sst s5;
	s9 =	smul.u32 $0x4F000, s3;
	s19 =	sshll.u32 s3, $0x6  }
0x9: {  	s6 =	smul.u32 $0x13C000, s2;
	_ =	strace $0x80000047;
	[dreg:$0x9] =	wrdreg s30  }
0xa: {  	s8 =	smul.u32 $0x50000, s2;
	s2 =	ssub.s32 $0x2, s2;
	[dreg:$0xa] =	wrdreg s31  }
0xb: {  	s17 =	sshrl.u32 s2, $0x1;
	s18 =	sshrl.u32 s9, $0x2;
	s6 =	sadd.s32 s7, s6  }
0xc: {  	s12 =	sadd.s32 s16, s8;
	s2 =	ssub.s32 s2, s17;
	s13 =	sadd.s32 s18, s4  }
0xd: {  	s16 =	simm.s32 $0x200;
	s18 =	simm.s32 $0x1;
	s6 =	sshrl.u32 s6, $0x3  }
0xe: {  	s7 =	sshrl.u32 s12, $0x3;
	s14 =	sor.u32 $0x600, s12;
	s15 =	sor.u32 $0x500, s12  }
0xf: {  	s24 =	sor.u32 $0x400, s12;
	s12 =	sor.u32 $0x300, s12;
	s13 =	sshrl.u32 s13, $0x3  }
0x10: {  	s11 =	sadd.s32 s6, s10;
	s6 =	sadd.s32 s1, s7;
	s7 =	sor.u32 $0x1C09, s19  }
0x11: {  	s14 =	sshrl.u32 s14, $0x3;
	s23 =	sshrl.u32 s15, $0x3;
	s15 =	sshrl.u32 s24, $0x3  }
0x12: {  	s26 =	sshrl.u32 s12, $0x3;
	s12 =	smax.u32 s2, $0x1;
	s20 =	sadd.s32 $0x20, s6  }
0x13: {  	s19 =	simm.s32 $0x80;
	s21 =	sadd.s32 $0x40, s6;
	[dreg:$0xb] =	wrdreg s20  }
0x14: {  	s24 =	simm.s32 $0x7;
	s22 =	sadd.s32 $0x60, s6;
	[dreg:$0xc] =	wrdreg s21  }
0x15: {  	s11 =	sadd.s32 $0x2800, s11;
	s14 =	sadd.s32 s14, s1;
	[dreg:$0xd] =	wrdreg s22  }
0x16: {  	s25 =	sadd.s32 s15, s1;
	s15 =	simm.s32 $0x100;
	[dreg:$0x5] =	wrdreg s14  }
0x17: {  	s14 =	sadd.s32 s23, s1;
	[dreg:$0x7] =	wrdreg s25;
	s1 =	sadd.s32 s26, s1  }
0x18: {  	s20 =	simm.s32 $0x400;
	s21 =	simm.s32 $0x2;
	s22 =	simm.s32 $0x4400  }
0x19: {  	s23 =	simm.s32 $0x5;
	s25 =	simm.s32 $0x3;
	[dreg:$0x6] =	wrdreg s14  }
0x1a: {  	s26 =	simm.s32 $0x6;
	[dreg:$0x8] =	wrdreg s1;
	s14 =	simm.s32 $0x9  }
.LBB2_1:
0x1b: {  	s1 =	rddreg [dreg:$0x2]  }
0x1c: {  	[spmem:s13], [sflag:s7] =	dma.local [hbm:s1], $0x2780  }
0x1d: {  	_ =	swait.ge [sflag:s14], $0x2780  }
0x1e: {  	[sflag:s14] =	ssyncset.done $0x0  }
0x1f: {  	[sflag:s14] =	ssyncadd.s32 $0xFFFFD880  }
0x20: {  	[tilespmem:s5], [sflag:$0x1] =	stream.linear.gather [hbm4b:s6+s5], $0x100, $0x38;
	[tilespmem:$0x1C000] =	vst v63  }
0x21: {  	s8 =	rddreg [dreg:$0xb]  }
0x22: {  	[tilespmem:s15], [sflag:$0x2] =	stream.linear.gather [hbm4b:s8+s5], $0x100, $0x38;
	[tilespmem:$0x1C000] =	vst v63  }
0x23: {  	s9 =	rddreg [dreg:$0xc]  }
0x24: {  	[tilespmem:s16], [sflag:$0x3] =	stream.linear.gather [hbm4b:s9+s5], $0x100, $0x38;
	[tilespmem:$0x1C000] =	vst v63  }
0x25: {  	s2 =	simm.s32 $0x300;
	s10 =	rddreg [dreg:$0xd]  }
0x26: {  	[tilespmem:s2], [sflag:$0x4] =	stream.linear.gather [hbm4b:s10+s5], $0x100, $0x38;
	[tilespmem:$0x1C000] =	vst v63  }
0x27: {  	[bflag:$0x0] =	sbarrier.arrive $0xFFFF  }
0x28: {  	p0 =	por $0x1, $0x1;
	_ =	swait.ge [sflag:s18], $0x100  }
0x29: {  	p0 =	por p0, p0;
	[sflag:s18] =	ssyncset.done $0x0  }
0x2a: {  	s1 =	simm.s32 @!p0 $0x8;
	[sflag:s18] =	ssyncadd.s32 $0xFFFFFF00  }
0x2b: {  	[tilespmem:s20], [sflag:$0x5] =	stream.indirect.gather [hbm4b:s0+s19], $0x80, s5, s19, $0xb8;
	[tilespmem:$0x1C000] =	vst v63  }
0x2c: {  	_ =	swait.ge @!p0 [sflag:s1], $0x4000  }
0x2d: {  	s30 =	simm.s32 @!p0 $0x300;
	s2 =	rddreg [dreg:$0x8];
	[sflag:s1] =	ssyncset.done @!p0 $0x0  }
0x2e: {  	[sflag:s1] =	ssyncadd.s32 @!p0 $0xFFFFC000;
	s1 =	sadd.s32 @!p0 $0x0, s2;
	s2 =	simm.s32 @!p0 $0x0  }
0x2f: {  	[tilespmem:s30], [sflag:$0x4] =	stream.linear.gather @!p0 [hbm4b:s1+s2], $0x100, $0x38;
	[tilespmem:$0x1C000] =	vst v63  }
0x30: {  	_ =	swait.ge [sflag:s21], $0x100  }
0x31: {  	[sflag:s21] =	ssyncset.done $0x0  }
0x32: {  	[sflag:s21] =	ssyncadd.s32 $0xFFFFFF00  }
0x33: {  	[tilespmem:s22], [sflag:$0x6] =	stream.indirect.gather [hbm4b:s0+s19], $0x80, s15, s19, $0xb8;
	[tilespmem:$0x1C000] =	vst v63  }
0x34: {  	_ =	swait.ge [sflag:s23], $0x4000  }
0x35: {  	[sflag:s23] =	ssyncset.done $0x0  }
0x36: {  	[sflag:s23] =	ssyncadd.s32 $0xFFFFC000  }
0x37: {  	[spmem:s4] =	stream.indirect.scatter.add.f32 [tilespmem:s20], [sflag:$0x7], $0x80, s19, s19, $0xb8;
	[tilespmem:$0x1C000] =	vst v63  }
0x38: {  	_ =	swait.ge [sflag:s24], $0x4000  }
0x39: {  	p0 =	por $0x0, $0x0;
	s1 =	rddreg [dreg:$0x7];
	[sflag:s24] =	ssyncset.done $0x0  }
0x3a: {  	s2 =	simm.s32 @!p0 $0x0;
	[sflag:s24] =	ssyncadd.s32 $0xFFFFC000;
	s1 =	sadd.s32 @!p0 $0x0, s1  }
0x3b: {  	[tilespmem:s2], [sflag:$0x1] =	stream.linear.gather @!p0 [hbm4b:s1+s2], $0x100, $0x38;
	[tilespmem:$0x1C000] =	vst v63  }
0x3c: {  	_ =	swait.ge [sflag:s25], $0x100  }
0x3d: {  	[sflag:s25] =	ssyncset.done $0x0  }
0x3e: {  	[sflag:s25] =	ssyncadd.s32 $0xFFFFFF00  }
0x3f: {  	[tilespmem:s20], [sflag:$0x5] =	stream.indirect.gather [hbm4b:s0+s19], $0x80, s16, s19, $0xb8;
	[tilespmem:$0x1C000] =	vst v63  }
0x40: {  	_ =	swait.ge [sflag:s26], $0x4000  }
0x41: {  	[sflag:s26] =	ssyncset.done $0x0  }
0x42: {  	s17 =	rddreg [dreg:$0x9];
	[sflag:s26] =	ssyncadd.s32 $0xFFFFC000  }
0x43: {  	[spmem:s4] =	stream.indirect.scatter.add.f32 [tilespmem:s22], [sflag:$0x8], $0x80, s17, s19, $0xb8;
	[tilespmem:$0x1C000] =	vst v63  }
0x44: {  	_ =	swait.ge [sflag:s28], $0x4000  }
0x45: {  	[sflag:s28] =	ssyncset.done $0x0  }
0x46: {  	s1 =	simm.s32 @p0 $0x4;
	[sflag:s28] =	ssyncadd.s32 $0xFFFFC000  }
0x47: {  	_ =	swait.ge @p0 [sflag:s1], $0x100  }
0x48: {  	s30 =	simm.s32 @p0 $0x4400;
	s31 =	simm.s32 @p0 $0x5;
	[sflag:s1] =	ssyncset.done @p0 $0x0  }
0x49: {  	s3 =	simm.s32 @p0 $0x300;
	[sflag:s1] =	ssyncadd.s32 @p0 $0xFFFFFF00;
	s1 =	simm.s32 @p0 $0x80  }
0x4a: {  	[tilespmem:s30], [sflag:$0x6] =	stream.indirect.gather @p0 [hbm4b:s0+s1], $0x80, s3, s1, $0xb8;
	[tilespmem:$0x1C000] =	vst v63  }
0x4b: {  	_ =	swait.ge @p0 [sflag:s31], $0x4000  }
0x4c: {  	s30 =	simm.s32 @p0 $0x280;
	[sflag:s31] =	ssyncset.done @p0 $0x0  }
0x4d: {  	s3 =	rddreg [dreg:$0x6];
	[sflag:s31] =	ssyncadd.s32 @p0 $0xFFFFC000;
	s31 =	simm.s32 @p0 $0x400  }
0x4e: {  	[spmem:s4] =	stream.indirect.scatter.add.f32 @p0 [tilespmem:s31], [sflag:$0x7], $0x80, s30, s1, $0xb8;
	[tilespmem:$0x1C000] =	vst v63  }
0x4f: {  	s1 =	sadd.s32 @!p0 $0x0, s3;
	s3 =	simm.s32 @!p0 $0x100;
	s30 =	simm.s32 @!p0 $0x4  }
0x50: {  	[tilespmem:s3], [sflag:$0x2] =	stream.linear.gather @!p0 [hbm4b:s1+s2], $0x100, $0x38;
	[tilespmem:$0x1C000] =	vst v63  }
0x51: {  	_ =	swait.ge @!p0 [sflag:s30], $0x100  }
0x52: {  	s31 =	simm.s32 @!p0 $0x300;
	s1 =	simm.s32 @!p0 $0x4400;
	[sflag:s30] =	ssyncset.done @!p0 $0x0  }
0x53: {  	s3 =	simm.s32 @!p0 $0x5;
	[sflag:s30] =	ssyncadd.s32 @!p0 $0xFFFFFF00;
	s30 =	simm.s32 @!p0 $0x80  }
0x54: {  	[tilespmem:s1], [sflag:$0x6] =	stream.indirect.gather @!p0 [hbm4b:s0+s30], $0x80, s31, s30, $0xb8;
	[tilespmem:$0x1C000] =	vst v63  }
0x55: {  	_ =	swait.ge @!p0 [sflag:s3], $0x4000  }
0x56: {  	s1 =	simm.s32 @!p0 $0x7;
	[sflag:s3] =	ssyncset.done @!p0 $0x0  }
0x57: {  	s31 =	simm.s32 @!p0 $0x400;
	[sflag:s3] =	ssyncadd.s32 @!p0 $0xFFFFC000;
	s3 =	simm.s32 @!p0 $0x280  }
0x58: {  	[spmem:s4] =	stream.indirect.scatter.add.f32 @!p0 [tilespmem:s31], [sflag:$0x7], $0x80, s3, s30, $0xb8;
	[tilespmem:$0x1C000] =	vst v63  }
0x59: {  	_ =	swait.ge @!p0 [sflag:s1], $0x4000  }
0x5a: {  	s3 =	rddreg [dreg:$0x5];
	[sflag:s1] =	ssyncset.done @!p0 $0x0  }
0x5b: {  	[sflag:s1] =	ssyncadd.s32 @!p0 $0xFFFFC000;
	s1 =	sadd.s32 @!p0 $0x0, s3;
	s3 =	simm.s32 @!p0 $0x200  }
0x5c: {  	[tilespmem:s3], [sflag:$0x3] =	stream.linear.gather @!p0 [hbm4b:s1+s2], $0x100, $0x38;
	[tilespmem:$0x1C000] =	vst v63  }
0x5d: {  	s1 =	simm.s32 @!p0 $0x1  }
0x5e: {  	_ =	swait.ge @!p0 [sflag:s1], $0x100  }
0x5f: {  	[sflag:s1] =	ssyncset.done @!p0 $0x0  }
0x60: {  	[sflag:s1] =	ssyncadd.s32 @!p0 $0xFFFFFF00  }
0x61: {  	[tilespmem:s31], [sflag:$0x5] =	stream.indirect.gather @!p0 [hbm4b:s0+s30], $0x80, s2, s30, $0xb8;
	[tilespmem:$0x1C000] =	vst v63  }
0x62: {  	p6 =	por $0x0, $0x0;
	_ =	swait.ge [sflag:s26], $0x4000  }
0x63: {  	s30 =	simm.s32 $0x80;
	s31 =	simm.s32 $0x100;
	[sflag:s26] =	ssyncset.done $0x0  }
0x64: {  	p0 =	por p6, p6;
	s1 =	rddreg [dreg:$0xa];
	[sflag:s26] =	ssyncadd.s32 $0xFFFFC000  }
.LBB2_2:
0x65: {  	[spmem:s4] =	stream.indirect.scatter.add.f32 [tilespmem:s22], [sflag:$0x8], $0x80, s1, s19, $0xb8;
	[tilespmem:$0x1C000] =	vst v63  }
0x66: {  	s2 =	simm.s32 @!p0 $0x8  }
0x67: {  	_ =	swait.ge @!p0 [sflag:s2], $0x4000  }
0x68: {  	s17 =	simm.s32 @!p0 $0x300;
	[sflag:s2] =	ssyncset.done @!p0 $0x0;
	s3 =	rddreg [dreg:$0x8]  }
0x69: {  	[sflag:s2] =	ssyncadd.s32 @!p0 $0xFFFFC000;
	s2 =	sadd.s32 @!p0 s30, s3;
	s3 =	simm.s32 @!p0 $0x0  }
0x6a: {  	[tilespmem:s17], [sflag:$0x4] =	stream.linear.gather @!p0 [hbm4b:s2+s3], $0x100, $0x38;
	[tilespmem:$0x1C000] =	vst v63  }
0x6b: {  	_ =	swait.ge [sflag:s21], $0x100  }
0x6c: {  	[sflag:s21] =	ssyncset.done $0x0  }
0x6d: {  	[sflag:s21] =	ssyncadd.s32 $0xFFFFFF00  }
0x6e: {  	[tilespmem:s22], [sflag:$0x6] =	stream.indirect.gather [hbm4b:s0+s19], $0x80, s15, s19, $0xb8;
	[tilespmem:$0x1C000] =	vst v63  }
0x6f: {  	_ =	swait.ge [sflag:s23], $0x4000  }
0x70: {  	s1 =	smov.u32 s31;
	[sflag:s23] =	ssyncset.done $0x0  }
0x71: {  	p2 =	seq.s32 s1, $0x0;
	[sflag:s23] =	ssyncadd.s32 $0xFFFFC000  }
0x72: {  	[spmem:s4] =	stream.indirect.scatter.add.f32 [tilespmem:s20], [sflag:$0x7], $0x80, s19, s19, $0xb8;
	[tilespmem:$0x1C000] =	vst v63  }
0x73: {  	p0 =	por p2, p2;
	_ =	swait.ge [sflag:s24], $0x4000  }
0x74: {  	p2 =	seq.s32 s30, $0x980;
	s2 =	rddreg [dreg:$0x7];
	[sflag:s24] =	ssyncset.done $0x0  }
0x75: {  	[sflag:s24] =	ssyncadd.s32 $0xFFFFC000;
	s3 =	sadd.s32 @!p2 s30, s2;
	s2 =	simm.s32 @!p2 $0x0  }
0x76: {  	[tilespmem:s2], [sflag:$0x1] =	stream.linear.gather @!p2 [hbm4b:s3+s2], $0x100, $0x38;
	[tilespmem:$0x1C000] =	vst v63  }
0x77: {  	_ =	swait.ge [sflag:s25], $0x100  }
0x78: {  	[sflag:s25] =	ssyncset.done $0x0  }
0x79: {  	[sflag:s25] =	ssyncadd.s32 $0xFFFFFF00  }
0x7a: {  	[tilespmem:s20], [sflag:$0x5] =	stream.indirect.gather [hbm4b:s0+s19], $0x80, s16, s19, $0xb8;
	[tilespmem:$0x1C000] =	vst v63  }
0x7b: {  	_ =	swait.ge [sflag:s26], $0x4000  }
0x7c: {  	[sflag:s26] =	ssyncset.done $0x0  }
0x7d: {  	s17 =	rddreg [dreg:$0x9];
	[sflag:s26] =	ssyncadd.s32 $0xFFFFC000  }
0x7e: {  	[spmem:s4] =	stream.indirect.scatter.add.f32 [tilespmem:s22], [sflag:$0x8], $0x80, s17, s19, $0xb8;
	[tilespmem:$0x1C000] =	vst v63  }
0x7f: {  	_ =	swait.ge [sflag:s28], $0x4000  }
0x80: {  	[sflag:s28] =	ssyncset.done $0x0  }
0x81: {  	s3 =	simm.s32 @p2 $0x4;
	[sflag:s28] =	ssyncadd.s32 $0xFFFFC000  }
0x82: {  	_ =	swait.ge @p2 [sflag:s3], $0x100  }
0x83: {  	s8 =	simm.s32 @p2 $0x5;
	s9 =	simm.s32 @p2 $0x300;
	[sflag:s3] =	ssyncset.done @p2 $0x0  }
0x84: {  	s17 =	simm.s32 @p2 $0x4400;
	[sflag:s3] =	ssyncadd.s32 @p2 $0xFFFFFF00;
	s3 =	simm.s32 @p2 $0x80  }
0x85: {  	[tilespmem:s17], [sflag:$0x6] =	stream.indirect.gather @p2 [hbm4b:s0+s3], $0x80, s9, s3, $0xb8;
	[tilespmem:$0x1C000] =	vst v63  }
0x86: {  	_ =	swait.ge @p2 [sflag:s8], $0x4000  }
0x87: {  	s17 =	simm.s32 @p2 $0x400;
	[sflag:s8] =	ssyncset.done @p2 $0x0  }
0x88: {  	s9 =	rddreg [dreg:$0x6];
	[sflag:s8] =	ssyncadd.s32 @p2 $0xFFFFC000;
	s8 =	simm.s32 @p2 $0x280  }
0x89: {  	[spmem:s4] =	stream.indirect.scatter.add.f32 @p2 [tilespmem:s17], [sflag:$0x7], $0x80, s8, s3, $0xb8;
	[tilespmem:$0x1C000] =	vst v63  }
0x8a: {  	s3 =	sadd.s32 @!p2 s30, s9;
	s8 =	simm.s32 @!p2 $0x100;
	s9 =	simm.s32 @!p2 $0x4  }
0x8b: {  	[tilespmem:s8], [sflag:$0x2] =	stream.linear.gather @!p2 [hbm4b:s3+s2], $0x100, $0x38;
	[tilespmem:$0x1C000] =	vst v63  }
0x8c: {  	_ =	swait.ge @!p2 [sflag:s9], $0x100  }
0x8d: {  	s17 =	simm.s32 @!p2 $0x300;
	s3 =	simm.s32 @!p2 $0x4400;
	[sflag:s9] =	ssyncset.done @!p2 $0x0  }
0x8e: {  	s8 =	simm.s32 @!p2 $0x5;
	[sflag:s9] =	ssyncadd.s32 @!p2 $0xFFFFFF00;
	s9 =	simm.s32 @!p2 $0x80  }
0x8f: {  	[tilespmem:s3], [sflag:$0x6] =	stream.indirect.gather @!p2 [hbm4b:s0+s9], $0x80, s17, s9, $0xb8;
	[tilespmem:$0x1C000] =	vst v63  }
0x90: {  	_ =	swait.ge @!p2 [sflag:s8], $0x4000  }
0x91: {  	s3 =	simm.s32 @!p2 $0x7;
	[sflag:s8] =	ssyncset.done @!p2 $0x0  }
0x92: {  	s17 =	simm.s32 @!p2 $0x400;
	[sflag:s8] =	ssyncadd.s32 @!p2 $0xFFFFC000;
	s8 =	simm.s32 @!p2 $0x280  }
0x93: {  	[spmem:s4] =	stream.indirect.scatter.add.f32 @!p2 [tilespmem:s17], [sflag:$0x7], $0x80, s8, s9, $0xb8;
	[tilespmem:$0x1C000] =	vst v63  }
0x94: {  	_ =	swait.ge @!p2 [sflag:s3], $0x4000  }
0x95: {  	s10 =	simm.s32 @!p2 $0x1;
	s8 =	rddreg [dreg:$0x5];
	[sflag:s3] =	ssyncset.done @!p2 $0x0  }
0x96: {  	[sflag:s3] =	ssyncadd.s32 @!p2 $0xFFFFC000;
	s3 =	sadd.s32 @!p2 s30, s8;
	s8 =	simm.s32 @!p2 $0x200  }
0x97: {  	[tilespmem:s8], [sflag:$0x3] =	stream.linear.gather @!p2 [hbm4b:s3+s2], $0x100, $0x38;
	[tilespmem:$0x1C000] =	vst v63  }
0x98: {  	s31 =	sadd.s32 $0x80, s31;
	_ =	swait.ge @!p2 [sflag:s10], $0x100  }
0x99: {  	p1 =	sne.s32 s31, $0xA00;
	[sflag:s10] =	ssyncset.done @!p2 $0x0  }
.Ltmp0:
0x9a: {  	[sflag:s10] =	ssyncadd.s32 @!p2 $0xFFFFFF00;
	(pc) =	sbr.rel @p1 .LBB2_2-.Ltmp0, $4  }
0x9b: {  	[tilespmem:s17], [sflag:$0x5] =	stream.indirect.gather @!p2 [hbm4b:s0+s9], $0x80, s2, s9, $0xb8;
	[tilespmem:$0x1C000] =	vst v63  }
0x9c: {  	_ =	swait.ge [sflag:s26], $0x4000  }
0x9d: {  	[sflag:s26] =	ssyncset.done $0x0  }
0x9e: {  	s30 =	smov.u32 s1;
	s1 =	rddreg [dreg:$0xa];
	[sflag:s26] =	ssyncadd.s32 $0xFFFFC000  }
0x9f: {  	[spmem:s4] =	stream.indirect.scatter.add.f32 [tilespmem:s22], [sflag:$0x8], $0x80, s1, s19, $0xb8;
	[tilespmem:$0x1C000] =	vst v63  }
0xa0: {  	s1 =	simm.s32 @!p0 $0x8  }
0xa1: {  	_ =	swait.ge @!p0 [sflag:s1], $0x4000  }
0xa2: {  	s3 =	simm.s32 @!p0 $0x300;
	s2 =	rddreg [dreg:$0x8];
	[sflag:s1] =	ssyncset.done @!p0 $0x0  }
0xa3: {  	[sflag:s1] =	ssyncadd.s32 @!p0 $0xFFFFC000;
	s1 =	sadd.s32 @!p0 s30, s2;
	s2 =	simm.s32 @!p0 $0x0  }
0xa4: {  	[tilespmem:s3], [sflag:$0x4] =	stream.linear.gather @!p0 [hbm4b:s1+s2], $0x100, $0x38;
	[tilespmem:$0x1C000] =	vst v63  }
0xa5: {  	_ =	swait.ge [sflag:s21], $0x100  }
0xa6: {  	[sflag:s21] =	ssyncset.done $0x0  }
0xa7: {  	[sflag:s21] =	ssyncadd.s32 $0xFFFFFF00  }
0xa8: {  	[tilespmem:s22], [sflag:$0x6] =	stream.indirect.gather [hbm4b:s0+s19], $0x80, s15, s19, $0xb8;
	[tilespmem:$0x1C000] =	vst v63  }
0xa9: {  	_ =	swait.ge [sflag:s23], $0x4000  }
0xaa: {  	[sflag:s23] =	ssyncset.done $0x0  }
0xab: {  	[sflag:s23] =	ssyncadd.s32 $0xFFFFC000  }
0xac: {  	[spmem:s4] =	stream.indirect.scatter.add.f32 [tilespmem:s20], [sflag:$0x7], $0x80, s19, s19, $0xb8;
	[tilespmem:$0x1C000] =	vst v63  }
0xad: {  	_ =	swait.ge [sflag:s24], $0x4000  }
0xae: {  	p0 =	seq.s32 s30, $0x980;
	s1 =	rddreg [dreg:$0x7];
	[sflag:s24] =	ssyncset.done $0x0  }
0xaf: {  	s2 =	simm.s32 @!p0 $0x0;
	[sflag:s24] =	ssyncadd.s32 $0xFFFFC000;
	s1 =	sadd.s32 @!p0 s30, s1  }
0xb0: {  	[tilespmem:s2], [sflag:$0x1] =	stream.linear.gather @!p0 [hbm4b:s1+s2], $0x100, $0x38;
	[tilespmem:$0x1C000] =	vst v63  }
0xb1: {  	_ =	swait.ge [sflag:s25], $0x100  }
0xb2: {  	[sflag:s25] =	ssyncset.done $0x0  }
0xb3: {  	[sflag:s25] =	ssyncadd.s32 $0xFFFFFF00  }
0xb4: {  	[tilespmem:s20], [sflag:$0x5] =	stream.indirect.gather [hbm4b:s0+s19], $0x80, s16, s19, $0xb8;
	[tilespmem:$0x1C000] =	vst v63  }
0xb5: {  	_ =	swait.ge [sflag:s26], $0x4000  }
0xb6: {  	[sflag:s26] =	ssyncset.done $0x0  }
0xb7: {  	s17 =	rddreg [dreg:$0x9];
	[sflag:s26] =	ssyncadd.s32 $0xFFFFC000  }
0xb8: {  	[spmem:s4] =	stream.indirect.scatter.add.f32 [tilespmem:s22], [sflag:$0x8], $0x80, s17, s19, $0xb8;
	[tilespmem:$0x1C000] =	vst v63  }
0xb9: {  	_ =	swait.ge [sflag:s28], $0x4000  }
0xba: {  	[sflag:s28] =	ssyncset.done $0x0  }
0xbb: {  	s1 =	simm.s32 @p0 $0x4;
	[sflag:s28] =	ssyncadd.s32 $0xFFFFC000  }
0xbc: {  	_ =	swait.ge @p0 [sflag:s1], $0x100  }
0xbd: {  	s3 =	simm.s32 @p0 $0x4400;
	s8 =	simm.s32 @p0 $0x5;
	[sflag:s1] =	ssyncset.done @p0 $0x0  }
0xbe: {  	s9 =	simm.s32 @p0 $0x300;
	[sflag:s1] =	ssyncadd.s32 @p0 $0xFFFFFF00;
	s1 =	simm.s32 @p0 $0x80  }
0xbf: {  	[tilespmem:s3], [sflag:$0x6] =	stream.indirect.gather @p0 [hbm4b:s0+s1], $0x80, s9, s1, $0xb8;
	[tilespmem:$0x1C000] =	vst v63  }
0xc0: {  	_ =	swait.ge @p0 [sflag:s8], $0x4000  }
0xc1: {  	s9 =	simm.s32 @p0 $0x400;
	[sflag:s8] =	ssyncset.done @p0 $0x0  }
0xc2: {  	s3 =	rddreg [dreg:$0x6];
	[sflag:s8] =	ssyncadd.s32 @p0 $0xFFFFC000;
	s8 =	simm.s32 @p0 $0x280  }
0xc3: {  	[spmem:s4] =	stream.indirect.scatter.add.f32 @p0 [tilespmem:s9], [sflag:$0x7], $0x80, s8, s1, $0xb8;
	[tilespmem:$0x1C000] =	vst v63  }
0xc4: {  	s1 =	sadd.s32 @!p0 s30, s3;
	s3 =	simm.s32 @!p0 $0x100;
	s8 =	simm.s32 @!p0 $0x4  }
0xc5: {  	[tilespmem:s3], [sflag:$0x2] =	stream.linear.gather @!p0 [hbm4b:s1+s2], $0x100, $0x38;
	[tilespmem:$0x1C000] =	vst v63  }
0xc6: {  	_ =	swait.ge @!p0 [sflag:s8], $0x100  }
0xc7: {  	s9 =	simm.s32 @!p0 $0x300;
	s1 =	simm.s32 @!p0 $0x4400;
	[sflag:s8] =	ssyncset.done @!p0 $0x0  }
0xc8: {  	s3 =	simm.s32 @!p0 $0x5;
	[sflag:s8] =	ssyncadd.s32 @!p0 $0xFFFFFF00;
	s8 =	simm.s32 @!p0 $0x80  }
0xc9: {  	[tilespmem:s1], [sflag:$0x6] =	stream.indirect.gather @!p0 [hbm4b:s0+s8], $0x80, s9, s8, $0xb8;
	[tilespmem:$0x1C000] =	vst v63  }
0xca: {  	_ =	swait.ge @!p0 [sflag:s3], $0x4000  }
0xcb: {  	s1 =	simm.s32 @!p0 $0x7;
	[sflag:s3] =	ssyncset.done @!p0 $0x0  }
0xcc: {  	s9 =	simm.s32 @!p0 $0x400;
	[sflag:s3] =	ssyncadd.s32 @!p0 $0xFFFFC000;
	s3 =	simm.s32 @!p0 $0x280  }
0xcd: {  	[spmem:s4] =	stream.indirect.scatter.add.f32 @!p0 [tilespmem:s9], [sflag:$0x7], $0x80, s3, s8, $0xb8;
	[tilespmem:$0x1C000] =	vst v63  }
0xce: {  	_ =	swait.ge @!p0 [sflag:s1], $0x4000  }
0xcf: {  	s10 =	simm.s32 @!p0 $0x1;
	s3 =	rddreg [dreg:$0x5];
	[sflag:s1] =	ssyncset.done @!p0 $0x0  }
0xd0: {  	[sflag:s1] =	ssyncadd.s32 @!p0 $0xFFFFC000;
	s1 =	sadd.s32 @!p0 s30, s3;
	s3 =	simm.s32 @!p0 $0x200  }
0xd1: {  	[tilespmem:s3], [sflag:$0x3] =	stream.linear.gather @!p0 [hbm4b:s1+s2], $0x100, $0x38;
	[tilespmem:$0x1C000] =	vst v63  }
0xd2: {  	_ =	swait.ge @!p0 [sflag:s10], $0x100  }
0xd3: {  	[sflag:s10] =	ssyncset.done @!p0 $0x0  }
0xd4: {  	[sflag:s10] =	ssyncadd.s32 @!p0 $0xFFFFFF00  }
0xd5: {  	[tilespmem:s9], [sflag:$0x5] =	stream.indirect.gather @!p0 [hbm4b:s0+s8], $0x80, s2, s8, $0xb8;
	[tilespmem:$0x1C000] =	vst v63  }
0xd6: {  	_ =	swait.ge [sflag:s26], $0x4000  }
0xd7: {  	[sflag:s26] =	ssyncset.done $0x0  }
0xd8: {  	s31 =	rddreg [dreg:$0xa];
	[sflag:s26] =	ssyncadd.s32 $0xFFFFC000  }
0xd9: {  	[spmem:s4] =	stream.indirect.scatter.add.f32 [tilespmem:s22], [sflag:$0x8], $0x80, s31, s19, $0xb8;
	[tilespmem:$0x1C000] =	vst v63  }
0xda: {  	_ =	swait.ge [sflag:s24], $0x4000  }
0xdb: {  	[sflag:s24] =	ssyncset.done $0x0  }
0xdc: {  	[sflag:s24] =	ssyncadd.s32 $0xFFFFC000  }
0xdd: {  	_ =	swait.ge [sflag:s28], $0x4000  }
0xde: {  	s29 =	sadd.s32 $0x1, s29;
	[sflag:s28] =	ssyncset.done $0x0  }
0xdf: {  	p0 =	sne.s32 s29, s12;
	[sflag:s28] =	ssyncadd.s32 $0xFFFFC000  }
.Ltmp1:
0xe0: {  	[bflag:$0x0] =	sbarrier.arrive $0xFFFF;
	(pc) =	sbr.rel @p0 .LBB2_1-.Ltmp1, $4  }
0xe1: {  	[hbm:s11], [sflag:s7] =	dma.local [spmem:s13], $0x2780  }
0xe2: {  	_ =	swait.ge [sflag:s14], $0x2780  }
0xe3: {  	[sflag:s14] =	ssyncset.done $0x0  }
0xe4: {  	[sflag:s14] =	ssyncadd.s32 $0xFFFFD880  }
0xe5: {  	_ =	sfence.sel $0x180000  }
0xe6: {  	[bflag:$0x0] =	sbarrier.arrive $0xFFFF  }
0xe7: {  	_ =	strace $0x90000047  }
0xe8: {  	s0 =	stileid.u32;
	[bflag:$0x2] =	sbarrier.arrive $0xFFFF  }
0xe9: {  	p0 =	sne.s32 s0, $0x0;
	s0 =	rddreg [dreg:$0x4]  }
0xea: {  	s0 =	sadd.s32 @!p0 $0x100000, s0  }
0xeb: {  	[sflag:s0] =	ssyncadd.tile.s32 @!p0 $0x1;
	_ =	shalt  }
.Lfunc_end2:
_tile_overlayer_lowered:
.L_overlay_start_2:
0xec: {  	(tag) =	ssettag $0x2  }
0xed: {  	s0 =	rddreg [dreg:$0x0];
	s2 =	stileid.u32  }
0xee: {  	s1 =	rddreg [dreg:$0x1];
	p0 =	sne.s32 s2, $0x0  }
0xef: {  	s3 =	rddreg [dreg:$0x2];
	[bflag:$0x3] =	sbarrier.arrive $0xFFFF;
	s2 =	simm.s32 @!p0 $0x1C09  }
0xf0: {  	[timem:s3], [sflag:s2] =	dma.local @!p0 [hbm:s0], s1  }
0xf1: {  	s0 =	simm.s32 @!p0 $0x9  }
0xf2: {  	_ =	swait.ge @!p0 [sflag:s0], s1  }
0xf3: {  	s1 =	ssub.s32 @!p0 $0x0, s1;
	[sflag:s0] =	ssyncset.done @!p0 $0x0  }
0xf4: {  	[sflag:s0] =	ssyncadd.s32 @!p0 s1  }
0xf5: {  	[bflag:$0x3] =	sbarrier.arrive $0xFFFF  }
0xf6: {  	_ =	shalt  }

</sc_bundles>
